<compile_context>
chip_gen: v7x
topology: tpu7x:2x2x1
jax: 0.10.2.dev20260603
libtpu: 0.0.44.dev20260713+nightly
codegen_flags: <defaults>
</compile_context>

<pallas_src>
import functools

import jax
import jax.numpy as jnp
from jax import lax
from jax.experimental import pallas as pl
from jax.experimental.pallas import tpu as pltpu
from jax.experimental.pallas import tpu_sc as plsc

NC = 2
NS = 16
NW = NC * NS
NTC = 2
LANES = 16
VCHUNK = 12544
NCHUNK = 8
FSTRIDE = VCHUNK * NCHUNK
NSLOT = 4
GROWS = 64


def _repack_kernel(F, CARD2, E):
    fields_per_core = F // NTC
    mesh = pltpu.create_tensorcore_mesh("core", num_cores=NTC)

    @functools.partial(
        pl.kernel,
        out_type=jax.ShapeDtypeStruct((F * FSTRIDE, 128), jnp.float32),
        mesh=mesh,
    )
    def kern(x_hbm, o_hbm):
        core = lax.axis_index("core")
        fbase = core * fields_per_core

        def body(x_ref, o_ref):
            o_ref[:, 0:E] = x_ref[0].T

        pltpu.emit_pipeline(
            body,
            grid=(fields_per_core, NCHUNK),
            in_specs=[pl.BlockSpec((1, E, VCHUNK),
                                   lambda f, c: (fbase + f, 0, c))],
            out_specs=[pl.BlockSpec((VCHUNK, 128),
                                    lambda f, c: ((fbase + f) * NCHUNK + c,
                                                  0))],
        )(x_hbm, o_hbm)

    return kern


def _sc_kernel(B, F, CARD2, E):
    rows_per_w = B // NW
    n_idx = rows_per_w // 128
    n_slices = rows_per_w // GROWS
    total_slices = F * n_slices
    mesh = plsc.VectorSubcoreMesh(core_axis_name="c", subcore_axis_name="s",
                                  num_cores=NC, num_subcores=NS)

    @functools.partial(
        pl.kernel,
        out_type=jax.ShapeDtypeStruct((B, 128), jnp.float32),
        mesh=mesh,
        compiler_params=pltpu.CompilerParams(use_tc_tiling_on_sc=True),
        scratch_types=(
            [pltpu.VMEM((F, n_idx, 128), jnp.int32),
             pltpu.VMEM((n_slices, GROWS), jnp.int32),
             pltpu.VMEM_SHARED((NS * rows_per_w, 128), jnp.float32),
             pltpu.VMEM((NSLOT, GROWS, 128), jnp.float32)]
            + [pltpu.SemaphoreType.DMA] * (2 * NSLOT)
        ),
    )
    def kern(tab_hbm, idx_hbm, out_hbm, idx_v, oidx_v, acc_sh, buf_v, *sems):
        gsem = sems[:NSLOT]
        ssem = sems[NSLOT:]
        sid = lax.axis_index("s")
        wid = sid * NC + lax.axis_index("c")
        base = sid * rows_per_w

        for m in range(n_idx):
            pltpu.sync_copy(
                idx_hbm.at[:, pl.ds(wid * rows_per_w + m * 128, 128)],
                idx_v.at[:, m, :])

        @pl.loop(0, F)
        def _(f):
            off = f * FSTRIDE + 1

            @pl.loop(0, n_idx)
            def _(m):
                @pl.loop(0, 128 // LANES)
                def _(k):
                    sl = pl.ds(k * LANES, LANES)
                    idx_v[f, m, sl] = idx_v[f, m, sl] + off

        @pl.loop(0, n_slices)
        def _(m):
            @pl.loop(0, GROWS // LANES)
            def _(k):
                oidx_v[m, pl.ds(k * LANES, LANES)] = (
                    lax.iota(jnp.int32, LANES)
                    + (base + m * GROWS + k * LANES))

        zeros16 = jnp.zeros((LANES,), jnp.float32)

        @pl.loop(0, GROWS)
        def _(r):
            @pl.loop(0, 128 // LANES)
            def _(k):
                buf_v[0, r, pl.ds(k * LANES, LANES)] = zeros16
        for m in range(n_slices):
            pltpu.sync_copy(buf_v.at[0],
                            acc_sh.at[pl.ds(base + m * GROWS, GROWS)])

        def slice_refs(s):
            f = lax.div(s, n_slices)
            sub = lax.rem(s, n_slices)
            m = lax.div(sub, n_slices // n_idx)
            h = lax.rem(sub, n_slices // n_idx)
            return idx_v.at[f, m, pl.ds(h * GROWS, GROWS)], oidx_v.at[sub]

        for t in range(NSLOT):
            src, _ = slice_refs(jnp.int32(t))
            pltpu.async_copy(tab_hbm.at[src], buf_v.at[t], gsem[t])

        @pl.loop(0, total_slices, step=NSLOT)
        def _(j):
            for t in range(NSLOT):
                src, dst = slice_refs(j + t)
                pltpu.make_async_copy(tab_hbm.at[src], buf_v.at[t],
                                      gsem[t]).wait()
                pltpu.async_copy(buf_v.at[t], acc_sh.at[dst], ssem[t],
                                 add=True)
            for t in range(NSLOT):
                _, dst = slice_refs(j + t)
                pltpu.make_async_copy(buf_v.at[t], acc_sh.at[dst],
                                      ssem[t]).wait()

                @pl.when(j + NSLOT + t < total_slices)
                def _():
                    src, _ = slice_refs(j + NSLOT + t)
                    pltpu.async_copy(tab_hbm.at[src], buf_v.at[t], gsem[t])

        pltpu.sync_copy(acc_sh.at[pl.ds(base, rows_per_w)],
                        out_hbm.at[pl.ds(wid * rows_per_w, rows_per_w)])

    return kern


def kernel(indices, tables):
    F, CARD2, E = tables.shape
    B = indices.shape[0]
    tab_t = jnp.transpose(tables, (0, 2, 1))
    idx_t = jnp.transpose(indices)
    packed = _repack_kernel(F, CARD2, E)(tab_t)
    wide = _sc_kernel(B, F, CARD2, E)(packed, idx_t)
    return wide[:, :E]

# --- scband reference (transcript-rebuilt; emitter-appended) ---
"""Pipeline reference for scband-base-tokenizing-net-66726611910955 (READ-ONLY COPY).

The authoritative reference and input builder live on the scoring server;
editing this copy changes nothing except your own understanding.
"""

import jax, jax.numpy as jnp
import numpy as np

N_FIELDS = 26
CARD = 100000
EMB = 32
BATCH = 16384


def setup_inputs(seed: int = 0) -> dict:
    key = jax.random.key(seed)
    k1, k2 = jax.random.split(key)
    # raw feature values in [0, CARD); forward shifts by +1 (None -> 0 is padding)
    indices = jax.random.randint(k1, (BATCH, N_FIELDS), 0, CARD, dtype=jnp.int32)
    # one embedding table per feature, each of size (cardinality + 2, embedding_dim)
    tables = jax.random.normal(k2, (N_FIELDS, CARD + 2, EMB), dtype=jnp.float32) * 0.02
    # padding_idx=0: row 0 is zeros
    tables = tables.at[:, 0, :].set(0.0)
    return {"indices": indices, "tables": tables}


def reference(indices, tables):
    # Faithful tensorized version of BaseTokenizingNet._state_to_tokens:
    # each token's embedding = sum over feature columns of
    #   embedding_layers[col](val + 1), with padding_idx=0 for None values.
    shifted = indices + 1  # [B, F]
    # gather per field: tables[f][shifted[:, f]] -> [F, B, E]
    gathered = jax.vmap(lambda tab, idx: jnp.take(tab, idx, axis=0), in_axes=(0, 1))(tables, shifted)
    out = jnp.sum(gathered, axis=0)  # [B, E] : one summed token embedding per row
    return out

if __name__ == "__main__":
    import jax
    _d = setup_inputs()
    print(jax.jit(kernel)(*tuple(_d.values())))

</pallas_src>

<mosaic_0001>
#map = affine_map<(d0, d1) -> (0, 0)>
module attributes {stable_mosaic.version = 14 : i64} {
  func.func @kern(%arg0: i32, %arg1: i32, %arg2: memref<2609152x128xf32, #tpu.memory_space<hbm>>, %arg3: memref<26x16384xi32, #tpu.memory_space<hbm>>, %arg4: memref<16384x128xf32, #tpu.memory_space<hbm>>, %arg5: memref<26x4x128xi32, #tpu.memory_space<vmem>>, %arg6: memref<8x64xi32, #tpu.memory_space<vmem>>, %arg7: memref<8192x128xf32, #tpu.memory_space<vmem_shared>>, %arg8: memref<4x64x128xf32, #tpu.memory_space<vmem>>, %arg9: memref<!tpu.dma_semaphore, #tpu.memory_space<semaphore_mem>>, %arg10: memref<!tpu.dma_semaphore, #tpu.memory_space<semaphore_mem>>, %arg11: memref<!tpu.dma_semaphore, #tpu.memory_space<semaphore_mem>>, %arg12: memref<!tpu.dma_semaphore, #tpu.memory_space<semaphore_mem>>, %arg13: memref<!tpu.dma_semaphore, #tpu.memory_space<semaphore_mem>>, %arg14: memref<!tpu.dma_semaphore, #tpu.memory_space<semaphore_mem>>, %arg15: memref<!tpu.dma_semaphore, #tpu.memory_space<semaphore_mem>>, %arg16: memref<!tpu.dma_semaphore, #tpu.memory_space<semaphore_mem>>) attributes {dimension_semantics = [#tpu.dimension_semantics<core_parallel>, #tpu.dimension_semantics<subcore_parallel>], iteration_bounds = array<i64: 2, 16>, scalar_prefetch = 0 : i64, scratch_operands = 12 : i64, tpu.core_type = #tpu.core_type<sc_vector_subcore>, window_params = [{transform_indices = #map}, {transform_indices = #map}, {transform_indices = #map}]} {
    %mul3A = arith.constant 2 : i32
    %mul3A_0 = arith.muli %arg1, %mul3A : i32
    %add3A = arith.addi %mul3A_0, %arg0 : i32
    %mul3A_1 = arith.constant 512 : i32
    %mul3A_2 = arith.muli %arg1, %mul3A_1 : i32
    %mul3A_3 = arith.constant 512 : i32
    %mul3A_4 = arith.muli %add3A, %mul3A_3 : i32
    %add3A_5 = arith.constant 0 : i32
    %add3A_6 = arith.addi %mul3A_4, %add3A_5 : i32
    %run_scoped3A = arith.constant 0 : i32
    "tpu.region"() ({
      %run_scoped3A_153 = tpu.sem_alloc : memref<!tpu.dma_semaphore, #tpu.memory_space<semaphore_mem>>
      %dma_start3A_154 = arith.constant 0 : i32
      %dma_start3A_155 = arith.constant 0 : i32
      %dma_start3A_156 = tpu.memref_slice %arg5[%dma_start3A_154, %run_scoped3A, %dma_start3A_155] : memref<26x4x128xi32, #tpu.memory_space<vmem>> -> memref<26x1x128xi32, #tpu.memory_space<vmem>>
      %dma_start3A_157 = tpu.memref_squeeze %dma_start3A_156 : memref<26x1x128xi32, #tpu.memory_space<vmem>> -> memref<26x128xi32, #tpu.memory_space<vmem>>
      %dma_start3A_158 = arith.constant 0 : i32
      %dma_start3A_159 = tpu.memref_slice %arg3[%dma_start3A_158, %add3A_6] : memref<26x16384xi32, #tpu.memory_space<hbm>> -> memref<26x128xi32, #tpu.memory_space<hbm>>
      %dma_start3A_160 = arith.constant 0 : i32
      %dma_start3A_161 = arith.constant 0 : i32
      %dma_start3A_162 = tpu.memref_slice %arg5[%dma_start3A_160, %run_scoped3A, %dma_start3A_161] : memref<26x4x128xi32, #tpu.memory_space<vmem>> -> memref<26x1x128xi32, #tpu.memory_space<vmem>>
      %dma_start3A_163 = tpu.memref_squeeze %dma_start3A_162 : memref<26x1x128xi32, #tpu.memory_space<vmem>> -> memref<26x128xi32, #tpu.memory_space<vmem>>
      %dma_start3A_164 = arith.constant 0 : i32
      %dma_start3A_165 = tpu.memref_slice %arg3[%dma_start3A_164, %add3A_6] : memref<26x16384xi32, #tpu.memory_space<hbm>> -> memref<26x128xi32, #tpu.memory_space<hbm>>
      tpu.enqueue_dma source(%dma_start3A_165 : memref<26x128xi32, #tpu.memory_space<hbm>>) target(%dma_start3A_163 : memref<26x128xi32, #tpu.memory_space<vmem>>) target_semaphore(%run_scoped3A_153 : memref<!tpu.dma_semaphore, #tpu.memory_space<semaphore_mem>>)
      %dma_wait3A = arith.constant 0 : i32
      %dma_wait3A_166 = arith.constant 0 : i32
      %dma_wait3A_167 = tpu.memref_slice %arg5[%dma_wait3A, %run_scoped3A, %dma_wait3A_166] : memref<26x4x128xi32, #tpu.memory_space<vmem>> -> memref<26x1x128xi32, #tpu.memory_space<vmem>>
      %dma_wait3A_168 = tpu.memref_squeeze %dma_wait3A_167 : memref<26x1x128xi32, #tpu.memory_space<vmem>> -> memref<26x128xi32, #tpu.memory_space<vmem>>
      %dma_wait3A_169 = arith.constant 0 : i32
      %dma_wait3A_170 = tpu.memref_slice %arg3[%dma_wait3A_169, %add3A_6] : memref<26x16384xi32, #tpu.memory_space<hbm>> -> memref<26x128xi32, #tpu.memory_space<hbm>>
      %dma_wait3A_171 = arith.constant 0 : i32
      %dma_wait3A_172 = arith.constant 0 : i32
      %dma_wait3A_173 = tpu.memref_slice %arg5[%dma_wait3A_171, %run_scoped3A, %dma_wait3A_172] : memref<26x4x128xi32, #tpu.memory_space<vmem>> -> memref<26x1x128xi32, #tpu.memory_space<vmem>>
      %dma_wait3A_174 = tpu.memref_squeeze %dma_wait3A_173 : memref<26x1x128xi32, #tpu.memory_space<vmem>> -> memref<26x128xi32, #tpu.memory_space<vmem>>
      %dma_wait3A_175 = arith.constant 0 : i32
      %dma_wait3A_176 = tpu.memref_slice %arg3[%dma_wait3A_175, %add3A_6] : memref<26x16384xi32, #tpu.memory_space<hbm>> -> memref<26x128xi32, #tpu.memory_space<hbm>>
      tpu.wait_dma2 semaphore(%run_scoped3A_153 : memref<!tpu.dma_semaphore, #tpu.memory_space<semaphore_mem>>) src(%dma_wait3A_176 : memref<26x128xi32, #tpu.memory_space<hbm>>) dst(%dma_wait3A_174 : memref<26x128xi32, #tpu.memory_space<vmem>>)
      tpu.yield
    }) : () -> ()
    %mul3A_7 = arith.constant 512 : i32
    %mul3A_8 = arith.muli %add3A, %mul3A_7 : i32
    %add3A_9 = arith.constant 128 : i32
    %add3A_10 = arith.addi %mul3A_8, %add3A_9 : i32
    %run_scoped3A_11 = arith.constant 1 : i32
    "tpu.region"() ({
      %run_scoped3A_153 = tpu.sem_alloc : memref<!tpu.dma_semaphore, #tpu.memory_space<semaphore_mem>>
      %dma_start3A_154 = arith.constant 0 : i32
      %dma_start3A_155 = arith.constant 0 : i32
      %dma_start3A_156 = tpu.memref_slice %arg5[%dma_start3A_154, %run_scoped3A_11, %dma_start3A_155] : memref<26x4x128xi32, #tpu.memory_space<vmem>> -> memref<26x1x128xi32, #tpu.memory_space<vmem>>
      %dma_start3A_157 = tpu.memref_squeeze %dma_start3A_156 : memref<26x1x128xi32, #tpu.memory_space<vmem>> -> memref<26x128xi32, #tpu.memory_space<vmem>>
      %dma_start3A_158 = arith.constant 0 : i32
      %dma_start3A_159 = tpu.memref_slice %arg3[%dma_start3A_158, %add3A_10] : memref<26x16384xi32, #tpu.memory_space<hbm>> -> memref<26x128xi32, #tpu.memory_space<hbm>>
      %dma_start3A_160 = arith.constant 0 : i32
      %dma_start3A_161 = arith.constant 0 : i32
      %dma_start3A_162 = tpu.memref_slice %arg5[%dma_start3A_160, %run_scoped3A_11, %dma_start3A_161] : memref<26x4x128xi32, #tpu.memory_space<vmem>> -> memref<26x1x128xi32, #tpu.memory_space<vmem>>
      %dma_start3A_163 = tpu.memref_squeeze %dma_start3A_162 : memref<26x1x128xi32, #tpu.memory_space<vmem>> -> memref<26x128xi32, #tpu.memory_space<vmem>>
      %dma_start3A_164 = arith.constant 0 : i32
      %dma_start3A_165 = tpu.memref_slice %arg3[%dma_start3A_164, %add3A_10] : memref<26x16384xi32, #tpu.memory_space<hbm>> -> memref<26x128xi32, #tpu.memory_space<hbm>>
      tpu.enqueue_dma source(%dma_start3A_165 : memref<26x128xi32, #tpu.memory_space<hbm>>) target(%dma_start3A_163 : memref<26x128xi32, #tpu.memory_space<vmem>>) target_semaphore(%run_scoped3A_153 : memref<!tpu.dma_semaphore, #tpu.memory_space<semaphore_mem>>)
      %dma_wait3A = arith.constant 0 : i32
      %dma_wait3A_166 = arith.constant 0 : i32
      %dma_wait3A_167 = tpu.memref_slice %arg5[%dma_wait3A, %run_scoped3A_11, %dma_wait3A_166] : memref<26x4x128xi32, #tpu.memory_space<vmem>> -> memref<26x1x128xi32, #tpu.memory_space<vmem>>
      %dma_wait3A_168 = tpu.memref_squeeze %dma_wait3A_167 : memref<26x1x128xi32, #tpu.memory_space<vmem>> -> memref<26x128xi32, #tpu.memory_space<vmem>>
      %dma_wait3A_169 = arith.constant 0 : i32
      %dma_wait3A_170 = tpu.memref_slice %arg3[%dma_wait3A_169, %add3A_10] : memref<26x16384xi32, #tpu.memory_space<hbm>> -> memref<26x128xi32, #tpu.memory_space<hbm>>
      %dma_wait3A_171 = arith.constant 0 : i32
      %dma_wait3A_172 = arith.constant 0 : i32
      %dma_wait3A_173 = tpu.memref_slice %arg5[%dma_wait3A_171, %run_scoped3A_11, %dma_wait3A_172] : memref<26x4x128xi32, #tpu.memory_space<vmem>> -> memref<26x1x128xi32, #tpu.memory_space<vmem>>
      %dma_wait3A_174 = tpu.memref_squeeze %dma_wait3A_173 : memref<26x1x128xi32, #tpu.memory_space<vmem>> -> memref<26x128xi32, #tpu.memory_space<vmem>>
      %dma_wait3A_175 = arith.constant 0 : i32
      %dma_wait3A_176 = tpu.memref_slice %arg3[%dma_wait3A_175, %add3A_10] : memref<26x16384xi32, #tpu.memory_space<hbm>> -> memref<26x128xi32, #tpu.memory_space<hbm>>
      tpu.wait_dma2 semaphore(%run_scoped3A_153 : memref<!tpu.dma_semaphore, #tpu.memory_space<semaphore_mem>>) src(%dma_wait3A_176 : memref<26x128xi32, #tpu.memory_space<hbm>>) dst(%dma_wait3A_174 : memref<26x128xi32, #tpu.memory_space<vmem>>)
      tpu.yield
    }) : () -> ()
    %mul3A_12 = arith.constant 512 : i32
    %mul3A_13 = arith.muli %add3A, %mul3A_12 : i32
    %add3A_14 = arith.constant 256 : i32
    %add3A_15 = arith.addi %mul3A_13, %add3A_14 : i32
    %run_scoped3A_16 = arith.constant 2 : i32
    "tpu.region"() ({
      %run_scoped3A_153 = tpu.sem_alloc : memref<!tpu.dma_semaphore, #tpu.memory_space<semaphore_mem>>
      %dma_start3A_154 = arith.constant 0 : i32
      %dma_start3A_155 = arith.constant 0 : i32
      %dma_start3A_156 = tpu.memref_slice %arg5[%dma_start3A_154, %run_scoped3A_16, %dma_start3A_155] : memref<26x4x128xi32, #tpu.memory_space<vmem>> -> memref<26x1x128xi32, #tpu.memory_space<vmem>>
      %dma_start3A_157 = tpu.memref_squeeze %dma_start3A_156 : memref<26x1x128xi32, #tpu.memory_space<vmem>> -> memref<26x128xi32, #tpu.memory_space<vmem>>
      %dma_start3A_158 = arith.constant 0 : i32
      %dma_start3A_159 = tpu.memref_slice %arg3[%dma_start3A_158, %add3A_15] : memref<26x16384xi32, #tpu.memory_space<hbm>> -> memref<26x128xi32, #tpu.memory_space<hbm>>
      %dma_start3A_160 = arith.constant 0 : i32
      %dma_start3A_161 = arith.constant 0 : i32
      %dma_start3A_162 = tpu.memref_slice %arg5[%dma_start3A_160, %run_scoped3A_16, %dma_start3A_161] : memref<26x4x128xi32, #tpu.memory_space<vmem>> -> memref<26x1x128xi32, #tpu.memory_space<vmem>>
      %dma_start3A_163 = tpu.memref_squeeze %dma_start3A_162 : memref<26x1x128xi32, #tpu.memory_space<vmem>> -> memref<26x128xi32, #tpu.memory_space<vmem>>
      %dma_start3A_164 = arith.constant 0 : i32
      %dma_start3A_165 = tpu.memref_slice %arg3[%dma_start3A_164, %add3A_15] : memref<26x16384xi32, #tpu.memory_space<hbm>> -> memref<26x128xi32, #tpu.memory_space<hbm>>
      tpu.enqueue_dma source(%dma_start3A_165 : memref<26x128xi32, #tpu.memory_space<hbm>>) target(%dma_start3A_163 : memref<26x128xi32, #tpu.memory_space<vmem>>) target_semaphore(%run_scoped3A_153 : memref<!tpu.dma_semaphore, #tpu.memory_space<semaphore_mem>>)
      %dma_wait3A = arith.constant 0 : i32
      %dma_wait3A_166 = arith.constant 0 : i32
      %dma_wait3A_167 = tpu.memref_slice %arg5[%dma_wait3A, %run_scoped3A_16, %dma_wait3A_166] : memref<26x4x128xi32, #tpu.memory_space<vmem>> -> memref<26x1x128xi32, #tpu.memory_space<vmem>>
      %dma_wait3A_168 = tpu.memref_squeeze %dma_wait3A_167 : memref<26x1x128xi32, #tpu.memory_space<vmem>> -> memref<26x128xi32, #tpu.memory_space<vmem>>
      %dma_wait3A_169 = arith.constant 0 : i32
      %dma_wait3A_170 = tpu.memref_slice %arg3[%dma_wait3A_169, %add3A_15] : memref<26x16384xi32, #tpu.memory_space<hbm>> -> memref<26x128xi32, #tpu.memory_space<hbm>>
      %dma_wait3A_171 = arith.constant 0 : i32
      %dma_wait3A_172 = arith.constant 0 : i32
      %dma_wait3A_173 = tpu.memref_slice %arg5[%dma_wait3A_171, %run_scoped3A_16, %dma_wait3A_172] : memref<26x4x128xi32, #tpu.memory_space<vmem>> -> memref<26x1x128xi32, #tpu.memory_space<vmem>>
      %dma_wait3A_174 = tpu.memref_squeeze %dma_wait3A_173 : memref<26x1x128xi32, #tpu.memory_space<vmem>> -> memref<26x128xi32, #tpu.memory_space<vmem>>
      %dma_wait3A_175 = arith.constant 0 : i32
      %dma_wait3A_176 = tpu.memref_slice %arg3[%dma_wait3A_175, %add3A_15] : memref<26x16384xi32, #tpu.memory_space<hbm>> -> memref<26x128xi32, #tpu.memory_space<hbm>>
      tpu.wait_dma2 semaphore(%run_scoped3A_153 : memref<!tpu.dma_semaphore, #tpu.memory_space<semaphore_mem>>) src(%dma_wait3A_176 : memref<26x128xi32, #tpu.memory_space<hbm>>) dst(%dma_wait3A_174 : memref<26x128xi32, #tpu.memory_space<vmem>>)
      tpu.yield
    }) : () -> ()
    %mul3A_17 = arith.constant 512 : i32
    %mul3A_18 = arith.muli %add3A, %mul3A_17 : i32
    %add3A_19 = arith.constant 384 : i32
    %add3A_20 = arith.addi %mul3A_18, %add3A_19 : i32
    %run_scoped3A_21 = arith.constant 3 : i32
    "tpu.region"() ({
      %run_scoped3A_153 = tpu.sem_alloc : memref<!tpu.dma_semaphore, #tpu.memory_space<semaphore_mem>>
      %dma_start3A_154 = arith.constant 0 : i32
      %dma_start3A_155 = arith.constant 0 : i32
      %dma_start3A_156 = tpu.memref_slice %arg5[%dma_start3A_154, %run_scoped3A_21, %dma_start3A_155] : memref<26x4x128xi32, #tpu.memory_space<vmem>> -> memref<26x1x128xi32, #tpu.memory_space<vmem>>
      %dma_start3A_157 = tpu.memref_squeeze %dma_start3A_156 : memref<26x1x128xi32, #tpu.memory_space<vmem>> -> memref<26x128xi32, #tpu.memory_space<vmem>>
      %dma_start3A_158 = arith.constant 0 : i32
      %dma_start3A_159 = tpu.memref_slice %arg3[%dma_start3A_158, %add3A_20] : memref<26x16384xi32, #tpu.memory_space<hbm>> -> memref<26x128xi32, #tpu.memory_space<hbm>>
      %dma_start3A_160 = arith.constant 0 : i32
      %dma_start3A_161 = arith.constant 0 : i32
      %dma_start3A_162 = tpu.memref_slice %arg5[%dma_start3A_160, %run_scoped3A_21, %dma_start3A_161] : memref<26x4x128xi32, #tpu.memory_space<vmem>> -> memref<26x1x128xi32, #tpu.memory_space<vmem>>
      %dma_start3A_163 = tpu.memref_squeeze %dma_start3A_162 : memref<26x1x128xi32, #tpu.memory_space<vmem>> -> memref<26x128xi32, #tpu.memory_space<vmem>>
      %dma_start3A_164 = arith.constant 0 : i32
      %dma_start3A_165 = tpu.memref_slice %arg3[%dma_start3A_164, %add3A_20] : memref<26x16384xi32, #tpu.memory_space<hbm>> -> memref<26x128xi32, #tpu.memory_space<hbm>>
      tpu.enqueue_dma source(%dma_start3A_165 : memref<26x128xi32, #tpu.memory_space<hbm>>) target(%dma_start3A_163 : memref<26x128xi32, #tpu.memory_space<vmem>>) target_semaphore(%run_scoped3A_153 : memref<!tpu.dma_semaphore, #tpu.memory_space<semaphore_mem>>)
      %dma_wait3A = arith.constant 0 : i32
      %dma_wait3A_166 = arith.constant 0 : i32
      %dma_wait3A_167 = tpu.memref_slice %arg5[%dma_wait3A, %run_scoped3A_21, %dma_wait3A_166] : memref<26x4x128xi32, #tpu.memory_space<vmem>> -> memref<26x1x128xi32, #tpu.memory_space<vmem>>
      %dma_wait3A_168 = tpu.memref_squeeze %dma_wait3A_167 : memref<26x1x128xi32, #tpu.memory_space<vmem>> -> memref<26x128xi32, #tpu.memory_space<vmem>>
      %dma_wait3A_169 = arith.constant 0 : i32
      %dma_wait3A_170 = tpu.memref_slice %arg3[%dma_wait3A_169, %add3A_20] : memref<26x16384xi32, #tpu.memory_space<hbm>> -> memref<26x128xi32, #tpu.memory_space<hbm>>
      %dma_wait3A_171 = arith.constant 0 : i32
      %dma_wait3A_172 = arith.constant 0 : i32
      %dma_wait3A_173 = tpu.memref_slice %arg5[%dma_wait3A_171, %run_scoped3A_21, %dma_wait3A_172] : memref<26x4x128xi32, #tpu.memory_space<vmem>> -> memref<26x1x128xi32, #tpu.memory_space<vmem>>
      %dma_wait3A_174 = tpu.memref_squeeze %dma_wait3A_173 : memref<26x1x128xi32, #tpu.memory_space<vmem>> -> memref<26x128xi32, #tpu.memory_space<vmem>>
      %dma_wait3A_175 = arith.constant 0 : i32
      %dma_wait3A_176 = tpu.memref_slice %arg3[%dma_wait3A_175, %add3A_20] : memref<26x16384xi32, #tpu.memory_space<hbm>> -> memref<26x128xi32, #tpu.memory_space<hbm>>
      tpu.wait_dma2 semaphore(%run_scoped3A_153 : memref<!tpu.dma_semaphore, #tpu.memory_space<semaphore_mem>>) src(%dma_wait3A_176 : memref<26x128xi32, #tpu.memory_space<hbm>>) dst(%dma_wait3A_174 : memref<26x128xi32, #tpu.memory_space<vmem>>)
      tpu.yield
    }) : () -> ()
    %scan3A = arith.constant 0 : i32
    %scan3A_22 = arith.constant 26 : i32
    %scan3A_23 = arith.addi %scan3A, %scan3A_22 : i32
    %scan3A_24 = arith.constant 1 : i32
    scf.for %scan3A_153 = %scan3A to %scan3A_23 step %scan3A_24  : i32 {
      %mul3A_154 = arith.constant 1 : i32
      %mul3A_155 = arith.muli %scan3A_153, %mul3A_154 : i32
      %add3A_156 = arith.constant 0 : i32
      %add3A_157 = arith.addi %add3A_156, %mul3A_155 : i32
      %mul3A_158 = arith.constant 100352 : i32
      %mul3A_159 = arith.muli %add3A_157, %mul3A_158 : i32
      %add3A_160 = arith.constant 1 : i32
      %add3A_161 = arith.addi %mul3A_159, %add3A_160 : i32
      %scan3A_162 = arith.constant 0 : i32
      %scan3A_163 = arith.constant 4 : i32
      %scan3A_164 = arith.addi %scan3A_162, %scan3A_163 : i32
      %scan3A_165 = arith.constant 1 : i32
      scf.for %scan3A_167 = %scan3A_162 to %scan3A_164 step %scan3A_165  : i32 {
        %mul3A_168 = arith.constant 1 : i32
        %mul3A_169 = arith.muli %scan3A_167, %mul3A_168 : i32
        %add3A_170 = arith.constant 0 : i32
        %add3A_171 = arith.addi %add3A_170, %mul3A_169 : i32
        %scan3A_172 = arith.constant 0 : i32
        %scan3A_173 = arith.constant 8 : i32
        %scan3A_174 = arith.addi %scan3A_172, %scan3A_173 : i32
        %scan3A_175 = arith.constant 1 : i32
        scf.for %scan3A_177 = %scan3A_172 to %scan3A_174 step %scan3A_175  : i32 {
          %mul3A_178 = arith.constant 1 : i32
          %mul3A_179 = arith.muli %scan3A_177, %mul3A_178 : i32
          %add3A_180 = arith.constant 0 : i32
          %add3A_181 = arith.addi %add3A_180, %mul3A_179 : i32
          %mul3A_182 = arith.constant 16 : i32
          %mul3A_183 = arith.muli %add3A_181, %mul3A_182 : i32
          %get3A = arith.index_cast %add3A_157 : i32 to index
          %get3A_184 = arith.index_cast %add3A_171 : i32 to index
          %get3A_185 = arith.index_cast %mul3A_183 : i32 to index
          %get3A_186 = tpu.vector_load %arg5[%get3A, %get3A_184, %get3A_185] {strides = array<i32>} : memref<26x4x128xi32, #tpu.memory_space<vmem>>, vector<1x1x16xi32>,
          %get3A_187 = vector.shape_cast %get3A_186 : vector<1x1x16xi32> to vector<16xi32>
          %add3A_188 = vector.broadcast %add3A_161 : i32 to vector<16xi32>
          %add3A_189 = arith.addi %get3A_187, %add3A_188 : vector<16xi32>
          %swap3A = arith.index_cast %add3A_157 : i32 to index
          %swap3A_190 = arith.index_cast %add3A_171 : i32 to index
          %swap3A_191 = arith.index_cast %mul3A_183 : i32 to index
          %swap3A_192 = tpu.vector_load %arg5[%swap3A, %swap3A_190, %swap3A_191] {strides = array<i32>} : memref<26x4x128xi32, #tpu.memory_space<vmem>>, vector<1x1x16xi32>,
          %swap3A_193 = vector.shape_cast %swap3A_192 : vector<1x1x16xi32> to vector<16xi32>
          %swap3A_194 = vector.shape_cast %add3A_189 : vector<16xi32> to vector<1x1x16xi32>
          tpu.vector_store %arg5[%swap3A, %swap3A_190, %swap3A_191], %swap3A_194 {strides = array<i32>} : memref<26x4x128xi32, #tpu.memory_space<vmem>>, vector<1x1x16xi32>,
        }
        %scan3A_176 = arith.constant 8 : i32
      }
      %scan3A_166 = arith.constant 4 : i32
    }
    %scan3A_25 = arith.constant 26 : i32
    %scan3A_26 = arith.constant 0 : i32
    %scan3A_27 = arith.constant 8 : i32
    %scan3A_28 = arith.addi %scan3A_26, %scan3A_27 : i32
    %scan3A_29 = arith.constant 1 : i32
    scf.for %scan3A_153 = %scan3A_26 to %scan3A_28 step %scan3A_29  : i32 {
      %mul3A_154 = arith.constant 1 : i32
      %mul3A_155 = arith.muli %scan3A_153, %mul3A_154 : i32
      %add3A_156 = arith.constant 0 : i32
      %add3A_157 = arith.addi %add3A_156, %mul3A_155 : i32
      %scan3A_158 = arith.constant 0 : i32
      %scan3A_159 = arith.constant 4 : i32
      %scan3A_160 = arith.addi %scan3A_158, %scan3A_159 : i32
      %scan3A_161 = arith.constant 1 : i32
      scf.for %scan3A_163 = %scan3A_158 to %scan3A_160 step %scan3A_161  : i32 {
        %mul3A_164 = arith.constant 1 : i32
        %mul3A_165 = arith.muli %scan3A_163, %mul3A_164 : i32
        %add3A_166 = arith.constant 0 : i32
        %add3A_167 = arith.addi %add3A_166, %mul3A_165 : i32
        %iota3A = tpu.iota {dimensions = array<i32: 0>} : vector<16xi32>
        %mul3A_168 = arith.constant 64 : i32
        %mul3A_169 = arith.muli %add3A_157, %mul3A_168 : i32
        %add3A_170 = arith.addi %mul3A_2, %mul3A_169 : i32
        %mul3A_171 = arith.constant 16 : i32
        %mul3A_172 = arith.muli %add3A_167, %mul3A_171 : i32
        %add3A_173 = arith.addi %add3A_170, %mul3A_172 : i32
        %add3A_174 = vector.broadcast %add3A_173 : i32 to vector<16xi32>
        %add3A_175 = arith.addi %iota3A, %add3A_174 : vector<16xi32>
        %mul3A_176 = arith.constant 16 : i32
        %mul3A_177 = arith.muli %add3A_167, %mul3A_176 : i32
        %swap3A = arith.index_cast %add3A_157 : i32 to index
        %swap3A_178 = arith.index_cast %mul3A_177 : i32 to index
        %swap3A_179 = tpu.vector_load %arg6[%swap3A, %swap3A_178] {strides = array<i32>} : memref<8x64xi32, #tpu.memory_space<vmem>>, vector<1x16xi32>,
        %swap3A_180 = vector.shape_cast %swap3A_179 : vector<1x16xi32> to vector<16xi32>
        %swap3A_181 = vector.shape_cast %add3A_175 : vector<16xi32> to vector<1x16xi32>
        tpu.vector_store %arg6[%swap3A, %swap3A_178], %swap3A_181 {strides = array<i32>} : memref<8x64xi32, #tpu.memory_space<vmem>>, vector<1x16xi32>,
      }
      %scan3A_162 = arith.constant 4 : i32
    }
    %scan3A_30 = arith.constant 8 : i32
    %broadcast_in_dim3A = arith.constant 0.000000e+00 : f32
    %broadcast_in_dim3A_31 = vector.broadcast %broadcast_in_dim3A : f32 to vector<16xf32>
    %scan3A_32 = arith.constant 0 : i32
    %scan3A_33 = arith.constant 64 : i32
    %scan3A_34 = arith.addi %scan3A_32, %scan3A_33 : i32
    %scan3A_35 = arith.constant 1 : i32
    scf.for %scan3A_153 = %scan3A_32 to %scan3A_34 step %scan3A_35  : i32 {
      %mul3A_154 = arith.constant 1 : i32
      %mul3A_155 = arith.muli %scan3A_153, %mul3A_154 : i32
      %add3A_156 = arith.constant 0 : i32
      %add3A_157 = arith.addi %add3A_156, %mul3A_155 : i32
      %scan3A_158 = arith.constant 0 : i32
      %scan3A_159 = arith.constant 8 : i32
      %scan3A_160 = arith.addi %scan3A_158, %scan3A_159 : i32
      %scan3A_161 = arith.constant 1 : i32
      scf.for %scan3A_163 = %scan3A_158 to %scan3A_160 step %scan3A_161  : i32 {
        %mul3A_164 = arith.constant 1 : i32
        %mul3A_165 = arith.muli %scan3A_163, %mul3A_164 : i32
        %add3A_166 = arith.constant 0 : i32
        %add3A_167 = arith.addi %add3A_166, %mul3A_165 : i32
        %mul3A_168 = arith.constant 16 : i32
        %mul3A_169 = arith.muli %add3A_167, %mul3A_168 : i32
        %swap3A = arith.constant 0 : i32
        %swap3A_170 = arith.index_cast %swap3A : i32 to index
        %swap3A_171 = arith.index_cast %add3A_157 : i32 to index
        %swap3A_172 = arith.index_cast %mul3A_169 : i32 to index
        %swap3A_173 = tpu.vector_load %arg8[%swap3A_170, %swap3A_171, %swap3A_172] {strides = array<i32>} : memref<4x64x128xf32, #tpu.memory_space<vmem>>, vector<1x1x16xf32>,
        %swap3A_174 = vector.shape_cast %swap3A_173 : vector<1x1x16xf32> to vector<16xf32>
        %swap3A_175 = vector.shape_cast %broadcast_in_dim3A_31 : vector<16xf32> to vector<1x1x16xf32>
        tpu.vector_store %arg8[%swap3A_170, %swap3A_171, %swap3A_172], %swap3A_175 {strides = array<i32>} : memref<4x64x128xf32, #tpu.memory_space<vmem>>, vector<1x1x16xf32>,
      }
      %scan3A_162 = arith.constant 8 : i32
    }
    %scan3A_36 = arith.constant 64 : i32
    %add3A_37 = arith.constant 0 : i32
    %add3A_38 = arith.addi %mul3A_2, %add3A_37 : i32
    %run_scoped3A_39 = arith.constant 0 : i32
    "tpu.region"() ({
      %run_scoped3A_153 = tpu.sem_alloc : memref<!tpu.dma_semaphore, #tpu.memory_space<semaphore_mem>>
      %dma_start3A_154 = arith.constant 0 : i32
      %dma_start3A_155 = arith.constant 0 : i32
      %dma_start3A_156 = tpu.memref_slice %arg8[%run_scoped3A_39, %dma_start3A_154, %dma_start3A_155] : memref<4x64x128xf32, #tpu.memory_space<vmem>> -> memref<1x64x128xf32, #tpu.memory_space<vmem>>
      %dma_start3A_157 = tpu.memref_squeeze %dma_start3A_156 : memref<1x64x128xf32, #tpu.memory_space<vmem>> -> memref<64x128xf32, #tpu.memory_space<vmem>>
      %dma_start3A_158 = arith.constant 0 : i32
      %dma_start3A_159 = tpu.memref_slice %arg7[%add3A_38, %dma_start3A_158] : memref<8192x128xf32, #tpu.memory_space<vmem_shared>> -> memref<64x128xf32, #tpu.memory_space<vmem_shared>>
      %dma_start3A_160 = arith.constant 0 : i32
      %dma_start3A_161 = tpu.memref_slice %arg7[%add3A_38, %dma_start3A_160] : memref<8192x128xf32, #tpu.memory_space<vmem_shared>> -> memref<64x128xf32, #tpu.memory_space<vmem_shared>>
      %dma_start3A_162 = arith.constant 0 : i32
      %dma_start3A_163 = arith.constant 0 : i32
      %dma_start3A_164 = tpu.memref_slice %arg8[%run_scoped3A_39, %dma_start3A_162, %dma_start3A_163] : memref<4x64x128xf32, #tpu.memory_space<vmem>> -> memref<1x64x128xf32, #tpu.memory_space<vmem>>
      %dma_start3A_165 = tpu.memref_squeeze %dma_start3A_164 : memref<1x64x128xf32, #tpu.memory_space<vmem>> -> memref<64x128xf32, #tpu.memory_space<vmem>>
      tpu.enqueue_dma source(%dma_start3A_165 : memref<64x128xf32, #tpu.memory_space<vmem>>) target(%dma_start3A_161 : memref<64x128xf32, #tpu.memory_space<vmem_shared>>) target_semaphore(%run_scoped3A_153 : memref<!tpu.dma_semaphore, #tpu.memory_space<semaphore_mem>>)
      %dma_wait3A = arith.constant 0 : i32
      %dma_wait3A_166 = arith.constant 0 : i32
      %dma_wait3A_167 = tpu.memref_slice %arg8[%run_scoped3A_39, %dma_wait3A, %dma_wait3A_166] : memref<4x64x128xf32, #tpu.memory_space<vmem>> -> memref<1x64x128xf32, #tpu.memory_space<vmem>>
      %dma_wait3A_168 = tpu.memref_squeeze %dma_wait3A_167 : memref<1x64x128xf32, #tpu.memory_space<vmem>> -> memref<64x128xf32, #tpu.memory_space<vmem>>
      %dma_wait3A_169 = arith.constant 0 : i32
      %dma_wait3A_170 = tpu.memref_slice %arg7[%add3A_38, %dma_wait3A_169] : memref<8192x128xf32, #tpu.memory_space<vmem_shared>> -> memref<64x128xf32, #tpu.memory_space<vmem_shared>>
      %dma_wait3A_171 = arith.constant 0 : i32
      %dma_wait3A_172 = tpu.memref_slice %arg7[%add3A_38, %dma_wait3A_171] : memref<8192x128xf32, #tpu.memory_space<vmem_shared>> -> memref<64x128xf32, #tpu.memory_space<vmem_shared>>
      %dma_wait3A_173 = arith.constant 0 : i32
      %dma_wait3A_174 = arith.constant 0 : i32
      %dma_wait3A_175 = tpu.memref_slice %arg8[%run_scoped3A_39, %dma_wait3A_173, %dma_wait3A_174] : memref<4x64x128xf32, #tpu.memory_space<vmem>> -> memref<1x64x128xf32, #tpu.memory_space<vmem>>
      %dma_wait3A_176 = tpu.memref_squeeze %dma_wait3A_175 : memref<1x64x128xf32, #tpu.memory_space<vmem>> -> memref<64x128xf32, #tpu.memory_space<vmem>>
      tpu.wait_dma2 semaphore(%run_scoped3A_153 : memref<!tpu.dma_semaphore, #tpu.memory_space<semaphore_mem>>) src(%dma_wait3A_176 : memref<64x128xf32, #tpu.memory_space<vmem>>) dst(%dma_wait3A_172 : memref<64x128xf32, #tpu.memory_space<vmem_shared>>)
      tpu.yield
    }) : () -> ()
    %add3A_40 = arith.constant 64 : i32
    %add3A_41 = arith.addi %mul3A_2, %add3A_40 : i32
    %run_scoped3A_42 = arith.constant 0 : i32
    "tpu.region"() ({
      %run_scoped3A_153 = tpu.sem_alloc : memref<!tpu.dma_semaphore, #tpu.memory_space<semaphore_mem>>
      %dma_start3A_154 = arith.constant 0 : i32
      %dma_start3A_155 = arith.constant 0 : i32
      %dma_start3A_156 = tpu.memref_slice %arg8[%run_scoped3A_42, %dma_start3A_154, %dma_start3A_155] : memref<4x64x128xf32, #tpu.memory_space<vmem>> -> memref<1x64x128xf32, #tpu.memory_space<vmem>>
      %dma_start3A_157 = tpu.memref_squeeze %dma_start3A_156 : memref<1x64x128xf32, #tpu.memory_space<vmem>> -> memref<64x128xf32, #tpu.memory_space<vmem>>
      %dma_start3A_158 = arith.constant 0 : i32
      %dma_start3A_159 = tpu.memref_slice %arg7[%add3A_41, %dma_start3A_158] : memref<8192x128xf32, #tpu.memory_space<vmem_shared>> -> memref<64x128xf32, #tpu.memory_space<vmem_shared>>
      %dma_start3A_160 = arith.constant 0 : i32
      %dma_start3A_161 = tpu.memref_slice %arg7[%add3A_41, %dma_start3A_160] : memref<8192x128xf32, #tpu.memory_space<vmem_shared>> -> memref<64x128xf32, #tpu.memory_space<vmem_shared>>
      %dma_start3A_162 = arith.constant 0 : i32
      %dma_start3A_163 = arith.constant 0 : i32
      %dma_start3A_164 = tpu.memref_slice %arg8[%run_scoped3A_42, %dma_start3A_162, %dma_start3A_163] : memref<4x64x128xf32, #tpu.memory_space<vmem>> -> memref<1x64x128xf32, #tpu.memory_space<vmem>>
      %dma_start3A_165 = tpu.memref_squeeze %dma_start3A_164 : memref<1x64x128xf32, #tpu.memory_space<vmem>> -> memref<64x128xf32, #tpu.memory_space<vmem>>
      tpu.enqueue_dma source(%dma_start3A_165 : memref<64x128xf32, #tpu.memory_space<vmem>>) target(%dma_start3A_161 : memref<64x128xf32, #tpu.memory_space<vmem_shared>>) target_semaphore(%run_scoped3A_153 : memref<!tpu.dma_semaphore, #tpu.memory_space<semaphore_mem>>)
      %dma_wait3A = arith.constant 0 : i32
      %dma_wait3A_166 = arith.constant 0 : i32
      %dma_wait3A_167 = tpu.memref_slice %arg8[%run_scoped3A_42, %dma_wait3A, %dma_wait3A_166] : memref<4x64x128xf32, #tpu.memory_space<vmem>> -> memref<1x64x128xf32, #tpu.memory_space<vmem>>
      %dma_wait3A_168 = tpu.memref_squeeze %dma_wait3A_167 : memref<1x64x128xf32, #tpu.memory_space<vmem>> -> memref<64x128xf32, #tpu.memory_space<vmem>>
      %dma_wait3A_169 = arith.constant 0 : i32
      %dma_wait3A_170 = tpu.memref_slice %arg7[%add3A_41, %dma_wait3A_169] : memref<8192x128xf32, #tpu.memory_space<vmem_shared>> -> memref<64x128xf32, #tpu.memory_space<vmem_shared>>
      %dma_wait3A_171 = arith.constant 0 : i32
      %dma_wait3A_172 = tpu.memref_slice %arg7[%add3A_41, %dma_wait3A_171] : memref<8192x128xf32, #tpu.memory_space<vmem_shared>> -> memref<64x128xf32, #tpu.memory_space<vmem_shared>>
      %dma_wait3A_173 = arith.constant 0 : i32
      %dma_wait3A_174 = arith.constant 0 : i32
      %dma_wait3A_175 = tpu.memref_slice %arg8[%run_scoped3A_42, %dma_wait3A_173, %dma_wait3A_174] : memref<4x64x128xf32, #tpu.memory_space<vmem>> -> memref<1x64x128xf32, #tpu.memory_space<vmem>>
      %dma_wait3A_176 = tpu.memref_squeeze %dma_wait3A_175 : memref<1x64x128xf32, #tpu.memory_space<vmem>> -> memref<64x128xf32, #tpu.memory_space<vmem>>
      tpu.wait_dma2 semaphore(%run_scoped3A_153 : memref<!tpu.dma_semaphore, #tpu.memory_space<semaphore_mem>>) src(%dma_wait3A_176 : memref<64x128xf32, #tpu.memory_space<vmem>>) dst(%dma_wait3A_172 : memref<64x128xf32, #tpu.memory_space<vmem_shared>>)
      tpu.yield
    }) : () -> ()
    %add3A_43 = arith.constant 128 : i32
    %add3A_44 = arith.addi %mul3A_2, %add3A_43 : i32
    %run_scoped3A_45 = arith.constant 0 : i32
    "tpu.region"() ({
      %run_scoped3A_153 = tpu.sem_alloc : memref<!tpu.dma_semaphore, #tpu.memory_space<semaphore_mem>>
      %dma_start3A_154 = arith.constant 0 : i32
      %dma_start3A_155 = arith.constant 0 : i32
      %dma_start3A_156 = tpu.memref_slice %arg8[%run_scoped3A_45, %dma_start3A_154, %dma_start3A_155] : memref<4x64x128xf32, #tpu.memory_space<vmem>> -> memref<1x64x128xf32, #tpu.memory_space<vmem>>
      %dma_start3A_157 = tpu.memref_squeeze %dma_start3A_156 : memref<1x64x128xf32, #tpu.memory_space<vmem>> -> memref<64x128xf32, #tpu.memory_space<vmem>>
      %dma_start3A_158 = arith.constant 0 : i32
      %dma_start3A_159 = tpu.memref_slice %arg7[%add3A_44, %dma_start3A_158] : memref<8192x128xf32, #tpu.memory_space<vmem_shared>> -> memref<64x128xf32, #tpu.memory_space<vmem_shared>>
      %dma_start3A_160 = arith.constant 0 : i32
      %dma_start3A_161 = tpu.memref_slice %arg7[%add3A_44, %dma_start3A_160] : memref<8192x128xf32, #tpu.memory_space<vmem_shared>> -> memref<64x128xf32, #tpu.memory_space<vmem_shared>>
      %dma_start3A_162 = arith.constant 0 : i32
      %dma_start3A_163 = arith.constant 0 : i32
      %dma_start3A_164 = tpu.memref_slice %arg8[%run_scoped3A_45, %dma_start3A_162, %dma_start3A_163] : memref<4x64x128xf32, #tpu.memory_space<vmem>> -> memref<1x64x128xf32, #tpu.memory_space<vmem>>
      %dma_start3A_165 = tpu.memref_squeeze %dma_start3A_164 : memref<1x64x128xf32, #tpu.memory_space<vmem>> -> memref<64x128xf32, #tpu.memory_space<vmem>>
      tpu.enqueue_dma source(%dma_start3A_165 : memref<64x128xf32, #tpu.memory_space<vmem>>) target(%dma_start3A_161 : memref<64x128xf32, #tpu.memory_space<vmem_shared>>) target_semaphore(%run_scoped3A_153 : memref<!tpu.dma_semaphore, #tpu.memory_space<semaphore_mem>>)
      %dma_wait3A = arith.constant 0 : i32
      %dma_wait3A_166 = arith.constant 0 : i32
      %dma_wait3A_167 = tpu.memref_slice %arg8[%run_scoped3A_45, %dma_wait3A, %dma_wait3A_166] : memref<4x64x128xf32, #tpu.memory_space<vmem>> -> memref<1x64x128xf32, #tpu.memory_space<vmem>>
      %dma_wait3A_168 = tpu.memref_squeeze %dma_wait3A_167 : memref<1x64x128xf32, #tpu.memory_space<vmem>> -> memref<64x128xf32, #tpu.memory_space<vmem>>
      %dma_wait3A_169 = arith.constant 0 : i32
      %dma_wait3A_170 = tpu.memref_slice %arg7[%add3A_44, %dma_wait3A_169] : memref<8192x128xf32, #tpu.memory_space<vmem_shared>> -> memref<64x128xf32, #tpu.memory_space<vmem_shared>>
      %dma_wait3A_171 = arith.constant 0 : i32
      %dma_wait3A_172 = tpu.memref_slice %arg7[%add3A_44, %dma_wait3A_171] : memref<8192x128xf32, #tpu.memory_space<vmem_shared>> -> memref<64x128xf32, #tpu.memory_space<vmem_shared>>
      %dma_wait3A_173 = arith.constant 0 : i32
      %dma_wait3A_174 = arith.constant 0 : i32
      %dma_wait3A_175 = tpu.memref_slice %arg8[%run_scoped3A_45, %dma_wait3A_173, %dma_wait3A_174] : memref<4x64x128xf32, #tpu.memory_space<vmem>> -> memref<1x64x128xf32, #tpu.memory_space<vmem>>
      %dma_wait3A_176 = tpu.memref_squeeze %dma_wait3A_175 : memref<1x64x128xf32, #tpu.memory_space<vmem>> -> memref<64x128xf32, #tpu.memory_space<vmem>>
      tpu.wait_dma2 semaphore(%run_scoped3A_153 : memref<!tpu.dma_semaphore, #tpu.memory_space<semaphore_mem>>) src(%dma_wait3A_176 : memref<64x128xf32, #tpu.memory_space<vmem>>) dst(%dma_wait3A_172 : memref<64x128xf32, #tpu.memory_space<vmem_shared>>)
      tpu.yield
    }) : () -> ()
    %add3A_46 = arith.constant 192 : i32
    %add3A_47 = arith.addi %mul3A_2, %add3A_46 : i32
    %run_scoped3A_48 = arith.constant 0 : i32
    "tpu.region"() ({
      %run_scoped3A_153 = tpu.sem_alloc : memref<!tpu.dma_semaphore, #tpu.memory_space<semaphore_mem>>
      %dma_start3A_154 = arith.constant 0 : i32
      %dma_start3A_155 = arith.constant 0 : i32
      %dma_start3A_156 = tpu.memref_slice %arg8[%run_scoped3A_48, %dma_start3A_154, %dma_start3A_155] : memref<4x64x128xf32, #tpu.memory_space<vmem>> -> memref<1x64x128xf32, #tpu.memory_space<vmem>>
      %dma_start3A_157 = tpu.memref_squeeze %dma_start3A_156 : memref<1x64x128xf32, #tpu.memory_space<vmem>> -> memref<64x128xf32, #tpu.memory_space<vmem>>
      %dma_start3A_158 = arith.constant 0 : i32
      %dma_start3A_159 = tpu.memref_slice %arg7[%add3A_47, %dma_start3A_158] : memref<8192x128xf32, #tpu.memory_space<vmem_shared>> -> memref<64x128xf32, #tpu.memory_space<vmem_shared>>
      %dma_start3A_160 = arith.constant 0 : i32
      %dma_start3A_161 = tpu.memref_slice %arg7[%add3A_47, %dma_start3A_160] : memref<8192x128xf32, #tpu.memory_space<vmem_shared>> -> memref<64x128xf32, #tpu.memory_space<vmem_shared>>
      %dma_start3A_162 = arith.constant 0 : i32
      %dma_start3A_163 = arith.constant 0 : i32
      %dma_start3A_164 = tpu.memref_slice %arg8[%run_scoped3A_48, %dma_start3A_162, %dma_start3A_163] : memref<4x64x128xf32, #tpu.memory_space<vmem>> -> memref<1x64x128xf32, #tpu.memory_space<vmem>>
      %dma_start3A_165 = tpu.memref_squeeze %dma_start3A_164 : memref<1x64x128xf32, #tpu.memory_space<vmem>> -> memref<64x128xf32, #tpu.memory_space<vmem>>
      tpu.enqueue_dma source(%dma_start3A_165 : memref<64x128xf32, #tpu.memory_space<vmem>>) target(%dma_start3A_161 : memref<64x128xf32, #tpu.memory_space<vmem_shared>>) target_semaphore(%run_scoped3A_153 : memref<!tpu.dma_semaphore, #tpu.memory_space<semaphore_mem>>)
      %dma_wait3A = arith.constant 0 : i32
      %dma_wait3A_166 = arith.constant 0 : i32
      %dma_wait3A_167 = tpu.memref_slice %arg8[%run_scoped3A_48, %dma_wait3A, %dma_wait3A_166] : memref<4x64x128xf32, #tpu.memory_space<vmem>> -> memref<1x64x128xf32, #tpu.memory_space<vmem>>
      %dma_wait3A_168 = tpu.memref_squeeze %dma_wait3A_167 : memref<1x64x128xf32, #tpu.memory_space<vmem>> -> memref<64x128xf32, #tpu.memory_space<vmem>>
      %dma_wait3A_169 = arith.constant 0 : i32
      %dma_wait3A_170 = tpu.memref_slice %arg7[%add3A_47, %dma_wait3A_169] : memref<8192x128xf32, #tpu.memory_space<vmem_shared>> -> memref<64x128xf32, #tpu.memory_space<vmem_shared>>
      %dma_wait3A_171 = arith.constant 0 : i32
      %dma_wait3A_172 = tpu.memref_slice %arg7[%add3A_47, %dma_wait3A_171] : memref<8192x128xf32, #tpu.memory_space<vmem_shared>> -> memref<64x128xf32, #tpu.memory_space<vmem_shared>>
      %dma_wait3A_173 = arith.constant 0 : i32
      %dma_wait3A_174 = arith.constant 0 : i32
      %dma_wait3A_175 = tpu.memref_slice %arg8[%run_scoped3A_48, %dma_wait3A_173, %dma_wait3A_174] : memref<4x64x128xf32, #tpu.memory_space<vmem>> -> memref<1x64x128xf32, #tpu.memory_space<vmem>>
      %dma_wait3A_176 = tpu.memref_squeeze %dma_wait3A_175 : memref<1x64x128xf32, #tpu.memory_space<vmem>> -> memref<64x128xf32, #tpu.memory_space<vmem>>
      tpu.wait_dma2 semaphore(%run_scoped3A_153 : memref<!tpu.dma_semaphore, #tpu.memory_space<semaphore_mem>>) src(%dma_wait3A_176 : memref<64x128xf32, #tpu.memory_space<vmem>>) dst(%dma_wait3A_172 : memref<64x128xf32, #tpu.memory_space<vmem_shared>>)
      tpu.yield
    }) : () -> ()
    %add3A_49 = arith.constant 256 : i32
    %add3A_50 = arith.addi %mul3A_2, %add3A_49 : i32
    %run_scoped3A_51 = arith.constant 0 : i32
    "tpu.region"() ({
      %run_scoped3A_153 = tpu.sem_alloc : memref<!tpu.dma_semaphore, #tpu.memory_space<semaphore_mem>>
      %dma_start3A_154 = arith.constant 0 : i32
      %dma_start3A_155 = arith.constant 0 : i32
      %dma_start3A_156 = tpu.memref_slice %arg8[%run_scoped3A_51, %dma_start3A_154, %dma_start3A_155] : memref<4x64x128xf32, #tpu.memory_space<vmem>> -> memref<1x64x128xf32, #tpu.memory_space<vmem>>
      %dma_start3A_157 = tpu.memref_squeeze %dma_start3A_156 : memref<1x64x128xf32, #tpu.memory_space<vmem>> -> memref<64x128xf32, #tpu.memory_space<vmem>>
      %dma_start3A_158 = arith.constant 0 : i32
      %dma_start3A_159 = tpu.memref_slice %arg7[%add3A_50, %dma_start3A_158] : memref<8192x128xf32, #tpu.memory_space<vmem_shared>> -> memref<64x128xf32, #tpu.memory_space<vmem_shared>>
      %dma_start3A_160 = arith.constant 0 : i32
      %dma_start3A_161 = tpu.memref_slice %arg7[%add3A_50, %dma_start3A_160] : memref<8192x128xf32, #tpu.memory_space<vmem_shared>> -> memref<64x128xf32, #tpu.memory_space<vmem_shared>>
      %dma_start3A_162 = arith.constant 0 : i32
      %dma_start3A_163 = arith.constant 0 : i32
      %dma_start3A_164 = tpu.memref_slice %arg8[%run_scoped3A_51, %dma_start3A_162, %dma_start3A_163] : memref<4x64x128xf32, #tpu.memory_space<vmem>> -> memref<1x64x128xf32, #tpu.memory_space<vmem>>
      %dma_start3A_165 = tpu.memref_squeeze %dma_start3A_164 : memref<1x64x128xf32, #tpu.memory_space<vmem>> -> memref<64x128xf32, #tpu.memory_space<vmem>>
      tpu.enqueue_dma source(%dma_start3A_165 : memref<64x128xf32, #tpu.memory_space<vmem>>) target(%dma_start3A_161 : memref<64x128xf32, #tpu.memory_space<vmem_shared>>) target_semaphore(%run_scoped3A_153 : memref<!tpu.dma_semaphore, #tpu.memory_space<semaphore_mem>>)
      %dma_wait3A = arith.constant 0 : i32
      %dma_wait3A_166 = arith.constant 0 : i32
      %dma_wait3A_167 = tpu.memref_slice %arg8[%run_scoped3A_51, %dma_wait3A, %dma_wait3A_166] : memref<4x64x128xf32, #tpu.memory_space<vmem>> -> memref<1x64x128xf32, #tpu.memory_space<vmem>>
      %dma_wait3A_168 = tpu.memref_squeeze %dma_wait3A_167 : memref<1x64x128xf32, #tpu.memory_space<vmem>> -> memref<64x128xf32, #tpu.memory_space<vmem>>
      %dma_wait3A_169 = arith.constant 0 : i32
      %dma_wait3A_170 = tpu.memref_slice %arg7[%add3A_50, %dma_wait3A_169] : memref<8192x128xf32, #tpu.memory_space<vmem_shared>> -> memref<64x128xf32, #tpu.memory_space<vmem_shared>>
      %dma_wait3A_171 = arith.constant 0 : i32
      %dma_wait3A_172 = tpu.memref_slice %arg7[%add3A_50, %dma_wait3A_171] : memref<8192x128xf32, #tpu.memory_space<vmem_shared>> -> memref<64x128xf32, #tpu.memory_space<vmem_shared>>
      %dma_wait3A_173 = arith.constant 0 : i32
      %dma_wait3A_174 = arith.constant 0 : i32
      %dma_wait3A_175 = tpu.memref_slice %arg8[%run_scoped3A_51, %dma_wait3A_173, %dma_wait3A_174] : memref<4x64x128xf32, #tpu.memory_space<vmem>> -> memref<1x64x128xf32, #tpu.memory_space<vmem>>
      %dma_wait3A_176 = tpu.memref_squeeze %dma_wait3A_175 : memref<1x64x128xf32, #tpu.memory_space<vmem>> -> memref<64x128xf32, #tpu.memory_space<vmem>>
      tpu.wait_dma2 semaphore(%run_scoped3A_153 : memref<!tpu.dma_semaphore, #tpu.memory_space<semaphore_mem>>) src(%dma_wait3A_176 : memref<64x128xf32, #tpu.memory_space<vmem>>) dst(%dma_wait3A_172 : memref<64x128xf32, #tpu.memory_space<vmem_shared>>)
      tpu.yield
    }) : () -> ()
    %add3A_52 = arith.constant 320 : i32
    %add3A_53 = arith.addi %mul3A_2, %add3A_52 : i32
    %run_scoped3A_54 = arith.constant 0 : i32
    "tpu.region"() ({
      %run_scoped3A_153 = tpu.sem_alloc : memref<!tpu.dma_semaphore, #tpu.memory_space<semaphore_mem>>
      %dma_start3A_154 = arith.constant 0 : i32
      %dma_start3A_155 = arith.constant 0 : i32
      %dma_start3A_156 = tpu.memref_slice %arg8[%run_scoped3A_54, %dma_start3A_154, %dma_start3A_155] : memref<4x64x128xf32, #tpu.memory_space<vmem>> -> memref<1x64x128xf32, #tpu.memory_space<vmem>>
      %dma_start3A_157 = tpu.memref_squeeze %dma_start3A_156 : memref<1x64x128xf32, #tpu.memory_space<vmem>> -> memref<64x128xf32, #tpu.memory_space<vmem>>
      %dma_start3A_158 = arith.constant 0 : i32
      %dma_start3A_159 = tpu.memref_slice %arg7[%add3A_53, %dma_start3A_158] : memref<8192x128xf32, #tpu.memory_space<vmem_shared>> -> memref<64x128xf32, #tpu.memory_space<vmem_shared>>
      %dma_start3A_160 = arith.constant 0 : i32
      %dma_start3A_161 = tpu.memref_slice %arg7[%add3A_53, %dma_start3A_160] : memref<8192x128xf32, #tpu.memory_space<vmem_shared>> -> memref<64x128xf32, #tpu.memory_space<vmem_shared>>
      %dma_start3A_162 = arith.constant 0 : i32
      %dma_start3A_163 = arith.constant 0 : i32
      %dma_start3A_164 = tpu.memref_slice %arg8[%run_scoped3A_54, %dma_start3A_162, %dma_start3A_163] : memref<4x64x128xf32, #tpu.memory_space<vmem>> -> memref<1x64x128xf32, #tpu.memory_space<vmem>>
      %dma_start3A_165 = tpu.memref_squeeze %dma_start3A_164 : memref<1x64x128xf32, #tpu.memory_space<vmem>> -> memref<64x128xf32, #tpu.memory_space<vmem>>
      tpu.enqueue_dma source(%dma_start3A_165 : memref<64x128xf32, #tpu.memory_space<vmem>>) target(%dma_start3A_161 : memref<64x128xf32, #tpu.memory_space<vmem_shared>>) target_semaphore(%run_scoped3A_153 : memref<!tpu.dma_semaphore, #tpu.memory_space<semaphore_mem>>)
      %dma_wait3A = arith.constant 0 : i32
      %dma_wait3A_166 = arith.constant 0 : i32
      %dma_wait3A_167 = tpu.memref_slice %arg8[%run_scoped3A_54, %dma_wait3A, %dma_wait3A_166] : memref<4x64x128xf32, #tpu.memory_space<vmem>> -> memref<1x64x128xf32, #tpu.memory_space<vmem>>
      %dma_wait3A_168 = tpu.memref_squeeze %dma_wait3A_167 : memref<1x64x128xf32, #tpu.memory_space<vmem>> -> memref<64x128xf32, #tpu.memory_space<vmem>>
      %dma_wait3A_169 = arith.constant 0 : i32
      %dma_wait3A_170 = tpu.memref_slice %arg7[%add3A_53, %dma_wait3A_169] : memref<8192x128xf32, #tpu.memory_space<vmem_shared>> -> memref<64x128xf32, #tpu.memory_space<vmem_shared>>
      %dma_wait3A_171 = arith.constant 0 : i32
      %dma_wait3A_172 = tpu.memref_slice %arg7[%add3A_53, %dma_wait3A_171] : memref<8192x128xf32, #tpu.memory_space<vmem_shared>> -> memref<64x128xf32, #tpu.memory_space<vmem_shared>>
      %dma_wait3A_173 = arith.constant 0 : i32
      %dma_wait3A_174 = arith.constant 0 : i32
      %dma_wait3A_175 = tpu.memref_slice %arg8[%run_scoped3A_54, %dma_wait3A_173, %dma_wait3A_174] : memref<4x64x128xf32, #tpu.memory_space<vmem>> -> memref<1x64x128xf32, #tpu.memory_space<vmem>>
      %dma_wait3A_176 = tpu.memref_squeeze %dma_wait3A_175 : memref<1x64x128xf32, #tpu.memory_space<vmem>> -> memref<64x128xf32, #tpu.memory_space<vmem>>
      tpu.wait_dma2 semaphore(%run_scoped3A_153 : memref<!tpu.dma_semaphore, #tpu.memory_space<semaphore_mem>>) src(%dma_wait3A_176 : memref<64x128xf32, #tpu.memory_space<vmem>>) dst(%dma_wait3A_172 : memref<64x128xf32, #tpu.memory_space<vmem_shared>>)
      tpu.yield
    }) : () -> ()
    %add3A_55 = arith.constant 384 : i32
    %add3A_56 = arith.addi %mul3A_2, %add3A_55 : i32
    %run_scoped3A_57 = arith.constant 0 : i32
    "tpu.region"() ({
      %run_scoped3A_153 = tpu.sem_alloc : memref<!tpu.dma_semaphore, #tpu.memory_space<semaphore_mem>>
      %dma_start3A_154 = arith.constant 0 : i32
      %dma_start3A_155 = arith.constant 0 : i32
      %dma_start3A_156 = tpu.memref_slice %arg8[%run_scoped3A_57, %dma_start3A_154, %dma_start3A_155] : memref<4x64x128xf32, #tpu.memory_space<vmem>> -> memref<1x64x128xf32, #tpu.memory_space<vmem>>
      %dma_start3A_157 = tpu.memref_squeeze %dma_start3A_156 : memref<1x64x128xf32, #tpu.memory_space<vmem>> -> memref<64x128xf32, #tpu.memory_space<vmem>>
      %dma_start3A_158 = arith.constant 0 : i32
      %dma_start3A_159 = tpu.memref_slice %arg7[%add3A_56, %dma_start3A_158] : memref<8192x128xf32, #tpu.memory_space<vmem_shared>> -> memref<64x128xf32, #tpu.memory_space<vmem_shared>>
      %dma_start3A_160 = arith.constant 0 : i32
      %dma_start3A_161 = tpu.memref_slice %arg7[%add3A_56, %dma_start3A_160] : memref<8192x128xf32, #tpu.memory_space<vmem_shared>> -> memref<64x128xf32, #tpu.memory_space<vmem_shared>>
      %dma_start3A_162 = arith.constant 0 : i32
      %dma_start3A_163 = arith.constant 0 : i32
      %dma_start3A_164 = tpu.memref_slice %arg8[%run_scoped3A_57, %dma_start3A_162, %dma_start3A_163] : memref<4x64x128xf32, #tpu.memory_space<vmem>> -> memref<1x64x128xf32, #tpu.memory_space<vmem>>
      %dma_start3A_165 = tpu.memref_squeeze %dma_start3A_164 : memref<1x64x128xf32, #tpu.memory_space<vmem>> -> memref<64x128xf32, #tpu.memory_space<vmem>>
      tpu.enqueue_dma source(%dma_start3A_165 : memref<64x128xf32, #tpu.memory_space<vmem>>) target(%dma_start3A_161 : memref<64x128xf32, #tpu.memory_space<vmem_shared>>) target_semaphore(%run_scoped3A_153 : memref<!tpu.dma_semaphore, #tpu.memory_space<semaphore_mem>>)
      %dma_wait3A = arith.constant 0 : i32
      %dma_wait3A_166 = arith.constant 0 : i32
      %dma_wait3A_167 = tpu.memref_slice %arg8[%run_scoped3A_57, %dma_wait3A, %dma_wait3A_166] : memref<4x64x128xf32, #tpu.memory_space<vmem>> -> memref<1x64x128xf32, #tpu.memory_space<vmem>>
      %dma_wait3A_168 = tpu.memref_squeeze %dma_wait3A_167 : memref<1x64x128xf32, #tpu.memory_space<vmem>> -> memref<64x128xf32, #tpu.memory_space<vmem>>
      %dma_wait3A_169 = arith.constant 0 : i32
      %dma_wait3A_170 = tpu.memref_slice %arg7[%add3A_56, %dma_wait3A_169] : memref<8192x128xf32, #tpu.memory_space<vmem_shared>> -> memref<64x128xf32, #tpu.memory_space<vmem_shared>>
      %dma_wait3A_171 = arith.constant 0 : i32
      %dma_wait3A_172 = tpu.memref_slice %arg7[%add3A_56, %dma_wait3A_171] : memref<8192x128xf32, #tpu.memory_space<vmem_shared>> -> memref<64x128xf32, #tpu.memory_space<vmem_shared>>
      %dma_wait3A_173 = arith.constant 0 : i32
      %dma_wait3A_174 = arith.constant 0 : i32
      %dma_wait3A_175 = tpu.memref_slice %arg8[%run_scoped3A_57, %dma_wait3A_173, %dma_wait3A_174] : memref<4x64x128xf32, #tpu.memory_space<vmem>> -> memref<1x64x128xf32, #tpu.memory_space<vmem>>
      %dma_wait3A_176 = tpu.memref_squeeze %dma_wait3A_175 : memref<1x64x128xf32, #tpu.memory_space<vmem>> -> memref<64x128xf32, #tpu.memory_space<vmem>>
      tpu.wait_dma2 semaphore(%run_scoped3A_153 : memref<!tpu.dma_semaphore, #tpu.memory_space<semaphore_mem>>) src(%dma_wait3A_176 : memref<64x128xf32, #tpu.memory_space<vmem>>) dst(%dma_wait3A_172 : memref<64x128xf32, #tpu.memory_space<vmem_shared>>)
      tpu.yield
    }) : () -> ()
    %add3A_58 = arith.constant 448 : i32
    %add3A_59 = arith.addi %mul3A_2, %add3A_58 : i32
    %run_scoped3A_60 = arith.constant 0 : i32
    "tpu.region"() ({
      %run_scoped3A_153 = tpu.sem_alloc : memref<!tpu.dma_semaphore, #tpu.memory_space<semaphore_mem>>
      %dma_start3A_154 = arith.constant 0 : i32
      %dma_start3A_155 = arith.constant 0 : i32
      %dma_start3A_156 = tpu.memref_slice %arg8[%run_scoped3A_60, %dma_start3A_154, %dma_start3A_155] : memref<4x64x128xf32, #tpu.memory_space<vmem>> -> memref<1x64x128xf32, #tpu.memory_space<vmem>>
      %dma_start3A_157 = tpu.memref_squeeze %dma_start3A_156 : memref<1x64x128xf32, #tpu.memory_space<vmem>> -> memref<64x128xf32, #tpu.memory_space<vmem>>
      %dma_start3A_158 = arith.constant 0 : i32
      %dma_start3A_159 = tpu.memref_slice %arg7[%add3A_59, %dma_start3A_158] : memref<8192x128xf32, #tpu.memory_space<vmem_shared>> -> memref<64x128xf32, #tpu.memory_space<vmem_shared>>
      %dma_start3A_160 = arith.constant 0 : i32
      %dma_start3A_161 = tpu.memref_slice %arg7[%add3A_59, %dma_start3A_160] : memref<8192x128xf32, #tpu.memory_space<vmem_shared>> -> memref<64x128xf32, #tpu.memory_space<vmem_shared>>
      %dma_start3A_162 = arith.constant 0 : i32
      %dma_start3A_163 = arith.constant 0 : i32
      %dma_start3A_164 = tpu.memref_slice %arg8[%run_scoped3A_60, %dma_start3A_162, %dma_start3A_163] : memref<4x64x128xf32, #tpu.memory_space<vmem>> -> memref<1x64x128xf32, #tpu.memory_space<vmem>>
      %dma_start3A_165 = tpu.memref_squeeze %dma_start3A_164 : memref<1x64x128xf32, #tpu.memory_space<vmem>> -> memref<64x128xf32, #tpu.memory_space<vmem>>
      tpu.enqueue_dma source(%dma_start3A_165 : memref<64x128xf32, #tpu.memory_space<vmem>>) target(%dma_start3A_161 : memref<64x128xf32, #tpu.memory_space<vmem_shared>>) target_semaphore(%run_scoped3A_153 : memref<!tpu.dma_semaphore, #tpu.memory_space<semaphore_mem>>)
      %dma_wait3A = arith.constant 0 : i32
      %dma_wait3A_166 = arith.constant 0 : i32
      %dma_wait3A_167 = tpu.memref_slice %arg8[%run_scoped3A_60, %dma_wait3A, %dma_wait3A_166] : memref<4x64x128xf32, #tpu.memory_space<vmem>> -> memref<1x64x128xf32, #tpu.memory_space<vmem>>
      %dma_wait3A_168 = tpu.memref_squeeze %dma_wait3A_167 : memref<1x64x128xf32, #tpu.memory_space<vmem>> -> memref<64x128xf32, #tpu.memory_space<vmem>>
      %dma_wait3A_169 = arith.constant 0 : i32
      %dma_wait3A_170 = tpu.memref_slice %arg7[%add3A_59, %dma_wait3A_169] : memref<8192x128xf32, #tpu.memory_space<vmem_shared>> -> memref<64x128xf32, #tpu.memory_space<vmem_shared>>
      %dma_wait3A_171 = arith.constant 0 : i32
      %dma_wait3A_172 = tpu.memref_slice %arg7[%add3A_59, %dma_wait3A_171] : memref<8192x128xf32, #tpu.memory_space<vmem_shared>> -> memref<64x128xf32, #tpu.memory_space<vmem_shared>>
      %dma_wait3A_173 = arith.constant 0 : i32
      %dma_wait3A_174 = arith.constant 0 : i32
      %dma_wait3A_175 = tpu.memref_slice %arg8[%run_scoped3A_60, %dma_wait3A_173, %dma_wait3A_174] : memref<4x64x128xf32, #tpu.memory_space<vmem>> -> memref<1x64x128xf32, #tpu.memory_space<vmem>>
      %dma_wait3A_176 = tpu.memref_squeeze %dma_wait3A_175 : memref<1x64x128xf32, #tpu.memory_space<vmem>> -> memref<64x128xf32, #tpu.memory_space<vmem>>
      tpu.wait_dma2 semaphore(%run_scoped3A_153 : memref<!tpu.dma_semaphore, #tpu.memory_space<semaphore_mem>>) src(%dma_wait3A_176 : memref<64x128xf32, #tpu.memory_space<vmem>>) dst(%dma_wait3A_172 : memref<64x128xf32, #tpu.memory_space<vmem_shared>>)
      tpu.yield
    }) : () -> ()
    %div3A = arith.constant 0 : i32
    %div3A_61 = arith.constant 8 : i32
    %div3A_62 = arith.divsi %div3A, %div3A_61 : i32
    %rem3A = arith.constant 0 : i32
    %rem3A_63 = arith.constant 8 : i32
    %rem3A_64 = arith.remsi %rem3A, %rem3A_63 : i32
    %div3A_65 = arith.constant 2 : i32
    %div3A_66 = arith.divsi %rem3A_64, %div3A_65 : i32
    %rem3A_67 = arith.constant 2 : i32
    %rem3A_68 = arith.remsi %rem3A_64, %rem3A_67 : i32
    %mul3A_69 = arith.constant 64 : i32
    %mul3A_70 = arith.muli %rem3A_68, %mul3A_69 : i32
    %dma_start3A = arith.constant 0 : i32
    %dma_start3A_71 = arith.constant 0 : i32
    %dma_start3A_72 = arith.constant 0 : i32
    %dma_start3A_73 = tpu.memref_slice %arg8[%dma_start3A, %dma_start3A_71, %dma_start3A_72] : memref<4x64x128xf32, #tpu.memory_space<vmem>> -> memref<1x64x128xf32, #tpu.memory_space<vmem>>
    %dma_start3A_74 = tpu.memref_squeeze %dma_start3A_73 : memref<1x64x128xf32, #tpu.memory_space<vmem>> -> memref<64x128xf32, #tpu.memory_space<vmem>>
    %dma_start3A_75 = tpu.memref_slice %arg5[%div3A_62, %div3A_66, %mul3A_70] : memref<26x4x128xi32, #tpu.memory_space<vmem>> -> memref<1x1x64xi32, #tpu.memory_space<vmem>>
    %dma_start3A_76 = tpu.memref_squeeze %dma_start3A_75 : memref<1x1x64xi32, #tpu.memory_space<vmem>> -> memref<64xi32, #tpu.memory_space<vmem>>
    %dma_start3A_77 = arith.constant 0 : i32
    %dma_start3A_78 = arith.constant 0 : i32
    %dma_start3A_79 = tpu.memref_slice %arg2[%dma_start3A_77, %dma_start3A_78] : memref<2609152x128xf32, #tpu.memory_space<hbm>> -> memref<2609152x128xf32, #tpu.memory_space<hbm>>
    tpu.enqueue_indirect_dma source(%dma_start3A_79 : memref<2609152x128xf32, #tpu.memory_space<hbm>>) target(%dma_start3A_74 : memref<64x128xf32, #tpu.memory_space<vmem>>) offsets(%dma_start3A_76 : memref<64xi32, #tpu.memory_space<vmem>>) semaphore(%arg9 : memref<!tpu.dma_semaphore, #tpu.memory_space<semaphore_mem>>)
    %div3A_80 = arith.constant 1 : i32
    %div3A_81 = arith.constant 8 : i32
    %div3A_82 = arith.divsi %div3A_80, %div3A_81 : i32
    %rem3A_83 = arith.constant 1 : i32
    %rem3A_84 = arith.constant 8 : i32
    %rem3A_85 = arith.remsi %rem3A_83, %rem3A_84 : i32
    %div3A_86 = arith.constant 2 : i32
    %div3A_87 = arith.divsi %rem3A_85, %div3A_86 : i32
    %rem3A_88 = arith.constant 2 : i32
    %rem3A_89 = arith.remsi %rem3A_85, %rem3A_88 : i32
    %mul3A_90 = arith.constant 64 : i32
    %mul3A_91 = arith.muli %rem3A_89, %mul3A_90 : i32
    %dma_start3A_92 = arith.constant 1 : i32
    %dma_start3A_93 = arith.constant 0 : i32
    %dma_start3A_94 = arith.constant 0 : i32
    %dma_start3A_95 = tpu.memref_slice %arg8[%dma_start3A_92, %dma_start3A_93, %dma_start3A_94] : memref<4x64x128xf32, #tpu.memory_space<vmem>> -> memref<1x64x128xf32, #tpu.memory_space<vmem>>
    %dma_start3A_96 = tpu.memref_squeeze %dma_start3A_95 : memref<1x64x128xf32, #tpu.memory_space<vmem>> -> memref<64x128xf32, #tpu.memory_space<vmem>>
    %dma_start3A_97 = tpu.memref_slice %arg5[%div3A_82, %div3A_87, %mul3A_91] : memref<26x4x128xi32, #tpu.memory_space<vmem>> -> memref<1x1x64xi32, #tpu.memory_space<vmem>>
    %dma_start3A_98 = tpu.memref_squeeze %dma_start3A_97 : memref<1x1x64xi32, #tpu.memory_space<vmem>> -> memref<64xi32, #tpu.memory_space<vmem>>
    %dma_start3A_99 = arith.constant 0 : i32
    %dma_start3A_100 = arith.constant 0 : i32
    %dma_start3A_101 = tpu.memref_slice %arg2[%dma_start3A_99, %dma_start3A_100] : memref<2609152x128xf32, #tpu.memory_space<hbm>> -> memref<2609152x128xf32, #tpu.memory_space<hbm>>
    tpu.enqueue_indirect_dma source(%dma_start3A_101 : memref<2609152x128xf32, #tpu.memory_space<hbm>>) target(%dma_start3A_96 : memref<64x128xf32, #tpu.memory_space<vmem>>) offsets(%dma_start3A_98 : memref<64xi32, #tpu.memory_space<vmem>>) semaphore(%arg10 : memref<!tpu.dma_semaphore, #tpu.memory_space<semaphore_mem>>)
    %div3A_102 = arith.constant 2 : i32
    %div3A_103 = arith.constant 8 : i32
    %div3A_104 = arith.divsi %div3A_102, %div3A_103 : i32
    %rem3A_105 = arith.constant 2 : i32
    %rem3A_106 = arith.constant 8 : i32
    %rem3A_107 = arith.remsi %rem3A_105, %rem3A_106 : i32
    %div3A_108 = arith.constant 2 : i32
    %div3A_109 = arith.divsi %rem3A_107, %div3A_108 : i32
    %rem3A_110 = arith.constant 2 : i32
    %rem3A_111 = arith.remsi %rem3A_107, %rem3A_110 : i32
    %mul3A_112 = arith.constant 64 : i32
    %mul3A_113 = arith.muli %rem3A_111, %mul3A_112 : i32
    %dma_start3A_114 = arith.constant 2 : i32
    %dma_start3A_115 = arith.constant 0 : i32
    %dma_start3A_116 = arith.constant 0 : i32
    %dma_start3A_117 = tpu.memref_slice %arg8[%dma_start3A_114, %dma_start3A_115, %dma_start3A_116] : memref<4x64x128xf32, #tpu.memory_space<vmem>> -> memref<1x64x128xf32, #tpu.memory_space<vmem>>
    %dma_start3A_118 = tpu.memref_squeeze %dma_start3A_117 : memref<1x64x128xf32, #tpu.memory_space<vmem>> -> memref<64x128xf32, #tpu.memory_space<vmem>>
    %dma_start3A_119 = tpu.memref_slice %arg5[%div3A_104, %div3A_109, %mul3A_113] : memref<26x4x128xi32, #tpu.memory_space<vmem>> -> memref<1x1x64xi32, #tpu.memory_space<vmem>>
    %dma_start3A_120 = tpu.memref_squeeze %dma_start3A_119 : memref<1x1x64xi32, #tpu.memory_space<vmem>> -> memref<64xi32, #tpu.memory_space<vmem>>
    %dma_start3A_121 = arith.constant 0 : i32
    %dma_start3A_122 = arith.constant 0 : i32
    %dma_start3A_123 = tpu.memref_slice %arg2[%dma_start3A_121, %dma_start3A_122] : memref<2609152x128xf32, #tpu.memory_space<hbm>> -> memref<2609152x128xf32, #tpu.memory_space<hbm>>
    tpu.enqueue_indirect_dma source(%dma_start3A_123 : memref<2609152x128xf32, #tpu.memory_space<hbm>>) target(%dma_start3A_118 : memref<64x128xf32, #tpu.memory_space<vmem>>) offsets(%dma_start3A_120 : memref<64xi32, #tpu.memory_space<vmem>>) semaphore(%arg11 : memref<!tpu.dma_semaphore, #tpu.memory_space<semaphore_mem>>)
    %div3A_124 = arith.constant 3 : i32
    %div3A_125 = arith.constant 8 : i32
    %div3A_126 = arith.divsi %div3A_124, %div3A_125 : i32
    %rem3A_127 = arith.constant 3 : i32
    %rem3A_128 = arith.constant 8 : i32
    %rem3A_129 = arith.remsi %rem3A_127, %rem3A_128 : i32
    %div3A_130 = arith.constant 2 : i32
    %div3A_131 = arith.divsi %rem3A_129, %div3A_130 : i32
    %rem3A_132 = arith.constant 2 : i32
    %rem3A_133 = arith.remsi %rem3A_129, %rem3A_132 : i32
    %mul3A_134 = arith.constant 64 : i32
    %mul3A_135 = arith.muli %rem3A_133, %mul3A_134 : i32
    %dma_start3A_136 = arith.constant 3 : i32
    %dma_start3A_137 = arith.constant 0 : i32
    %dma_start3A_138 = arith.constant 0 : i32
    %dma_start3A_139 = tpu.memref_slice %arg8[%dma_start3A_136, %dma_start3A_137, %dma_start3A_138] : memref<4x64x128xf32, #tpu.memory_space<vmem>> -> memref<1x64x128xf32, #tpu.memory_space<vmem>>
    %dma_start3A_140 = tpu.memref_squeeze %dma_start3A_139 : memref<1x64x128xf32, #tpu.memory_space<vmem>> -> memref<64x128xf32, #tpu.memory_space<vmem>>
    %dma_start3A_141 = tpu.memref_slice %arg5[%div3A_126, %div3A_131, %mul3A_135] : memref<26x4x128xi32, #tpu.memory_space<vmem>> -> memref<1x1x64xi32, #tpu.memory_space<vmem>>
    %dma_start3A_142 = tpu.memref_squeeze %dma_start3A_141 : memref<1x1x64xi32, #tpu.memory_space<vmem>> -> memref<64xi32, #tpu.memory_space<vmem>>
    %dma_start3A_143 = arith.constant 0 : i32
    %dma_start3A_144 = arith.constant 0 : i32
    %dma_start3A_145 = tpu.memref_slice %arg2[%dma_start3A_143, %dma_start3A_144] : memref<2609152x128xf32, #tpu.memory_space<hbm>> -> memref<2609152x128xf32, #tpu.memory_space<hbm>>
    tpu.enqueue_indirect_dma source(%dma_start3A_145 : memref<2609152x128xf32, #tpu.memory_space<hbm>>) target(%dma_start3A_140 : memref<64x128xf32, #tpu.memory_space<vmem>>) offsets(%dma_start3A_142 : memref<64xi32, #tpu.memory_space<vmem>>) semaphore(%arg12 : memref<!tpu.dma_semaphore, #tpu.memory_space<semaphore_mem>>)
    %scan3A_146 = arith.constant 0 : i32
    %scan3A_147 = arith.constant 52 : i32
    %scan3A_148 = arith.addi %scan3A_146, %scan3A_147 : i32
    %scan3A_149 = arith.constant 1 : i32
    scf.for %scan3A_153 = %scan3A_146 to %scan3A_148 step %scan3A_149  : i32 {
      %mul3A_154 = arith.constant 4 : i32
      %mul3A_155 = arith.muli %scan3A_153, %mul3A_154 : i32
      %add3A_156 = arith.constant 0 : i32
      %add3A_157 = arith.addi %add3A_156, %mul3A_155 : i32
      %add3A_158 = arith.constant 0 : i32
      %add3A_159 = arith.addi %add3A_157, %add3A_158 : i32
      %div3A_160 = arith.constant 8 : i32
      %div3A_161 = arith.divsi %add3A_159, %div3A_160 : i32
      %rem3A_162 = arith.constant 8 : i32
      %rem3A_163 = arith.remsi %add3A_159, %rem3A_162 : i32
      %div3A_164 = arith.constant 2 : i32
      %div3A_165 = arith.divsi %rem3A_163, %div3A_164 : i32
      %rem3A_166 = arith.constant 2 : i32
      %rem3A_167 = arith.remsi %rem3A_163, %rem3A_166 : i32
      %mul3A_168 = arith.constant 64 : i32
      %mul3A_169 = arith.muli %rem3A_167, %mul3A_168 : i32
      %dma_wait3A = arith.constant 0 : i32
      %dma_wait3A_170 = arith.constant 0 : i32
      %dma_wait3A_171 = arith.constant 0 : i32
      %dma_wait3A_172 = tpu.memref_slice %arg8[%dma_wait3A, %dma_wait3A_170, %dma_wait3A_171] : memref<4x64x128xf32, #tpu.memory_space<vmem>> -> memref<1x64x128xf32, #tpu.memory_space<vmem>>
      %dma_wait3A_173 = tpu.memref_squeeze %dma_wait3A_172 : memref<1x64x128xf32, #tpu.memory_space<vmem>> -> memref<64x128xf32, #tpu.memory_space<vmem>>
      %dma_wait3A_174 = tpu.memref_slice %arg5[%div3A_161, %div3A_165, %mul3A_169] : memref<26x4x128xi32, #tpu.memory_space<vmem>> -> memref<1x1x64xi32, #tpu.memory_space<vmem>>
      %dma_wait3A_175 = tpu.memref_squeeze %dma_wait3A_174 : memref<1x1x64xi32, #tpu.memory_space<vmem>> -> memref<64xi32, #tpu.memory_space<vmem>>
      %dma_wait3A_176 = arith.constant 0 : i32
      %dma_wait3A_177 = arith.constant 0 : i32
      %dma_wait3A_178 = tpu.memref_slice %arg2[%dma_wait3A_176, %dma_wait3A_177] : memref<2609152x128xf32, #tpu.memory_space<hbm>> -> memref<2609152x128xf32, #tpu.memory_space<hbm>>
      tpu.wait_indirect_dma semaphore(%arg9 : memref<!tpu.dma_semaphore, #tpu.memory_space<semaphore_mem>>) src(%dma_wait3A_178 : memref<2609152x128xf32, #tpu.memory_space<hbm>>) dst(%dma_wait3A_173 : memref<64x128xf32, #tpu.memory_space<vmem>>)
      %dma_start3A_179 = arith.constant 0 : i32
      %dma_start3A_180 = arith.constant 0 : i32
      %dma_start3A_181 = arith.constant 0 : i32
      %dma_start3A_182 = tpu.memref_slice %arg8[%dma_start3A_179, %dma_start3A_180, %dma_start3A_181] : memref<4x64x128xf32, #tpu.memory_space<vmem>> -> memref<1x64x128xf32, #tpu.memory_space<vmem>>
      %dma_start3A_183 = tpu.memref_squeeze %dma_start3A_182 : memref<1x64x128xf32, #tpu.memory_space<vmem>> -> memref<64x128xf32, #tpu.memory_space<vmem>>
      %dma_start3A_184 = arith.constant 0 : i32
      %dma_start3A_185 = tpu.memref_slice %arg6[%rem3A_163, %dma_start3A_184] : memref<8x64xi32, #tpu.memory_space<vmem>> -> memref<1x64xi32, #tpu.memory_space<vmem>>
      %dma_start3A_186 = tpu.memref_squeeze %dma_start3A_185 : memref<1x64xi32, #tpu.memory_space<vmem>> -> memref<64xi32, #tpu.memory_space<vmem>>
      %dma_start3A_187 = arith.constant 0 : i32
      %dma_start3A_188 = arith.constant 0 : i32
      %dma_start3A_189 = tpu.memref_slice %arg7[%dma_start3A_187, %dma_start3A_188] : memref<8192x128xf32, #tpu.memory_space<vmem_shared>> -> memref<8192x128xf32, #tpu.memory_space<vmem_shared>>
      tpu.enqueue_indirect_dma source(%dma_start3A_183 : memref<64x128xf32, #tpu.memory_space<vmem>>) target(%dma_start3A_189 : memref<8192x128xf32, #tpu.memory_space<vmem_shared>>) offsets(%dma_start3A_186 : memref<64xi32, #tpu.memory_space<vmem>>) semaphore(%arg13 : memref<!tpu.dma_semaphore, #tpu.memory_space<semaphore_mem>>) {add = true}
      %add3A_190 = arith.constant 1 : i32
      %add3A_191 = arith.addi %add3A_157, %add3A_190 : i32
      %div3A_192 = arith.constant 8 : i32
      %div3A_193 = arith.divsi %add3A_191, %div3A_192 : i32
      %rem3A_194 = arith.constant 8 : i32
      %rem3A_195 = arith.remsi %add3A_191, %rem3A_194 : i32
      %div3A_196 = arith.constant 2 : i32
      %div3A_197 = arith.divsi %rem3A_195, %div3A_196 : i32
      %rem3A_198 = arith.constant 2 : i32
      %rem3A_199 = arith.remsi %rem3A_195, %rem3A_198 : i32
      %mul3A_200 = arith.constant 64 : i32
      %mul3A_201 = arith.muli %rem3A_199, %mul3A_200 : i32
      %dma_wait3A_202 = arith.constant 1 : i32
      %dma_wait3A_203 = arith.constant 0 : i32
      %dma_wait3A_204 = arith.constant 0 : i32
      %dma_wait3A_205 = tpu.memref_slice %arg8[%dma_wait3A_202, %dma_wait3A_203, %dma_wait3A_204] : memref<4x64x128xf32, #tpu.memory_space<vmem>> -> memref<1x64x128xf32, #tpu.memory_space<vmem>>
      %dma_wait3A_206 = tpu.memref_squeeze %dma_wait3A_205 : memref<1x64x128xf32, #tpu.memory_space<vmem>> -> memref<64x128xf32, #tpu.memory_space<vmem>>
      %dma_wait3A_207 = tpu.memref_slice %arg5[%div3A_193, %div3A_197, %mul3A_201] : memref<26x4x128xi32, #tpu.memory_space<vmem>> -> memref<1x1x64xi32, #tpu.memory_space<vmem>>
      %dma_wait3A_208 = tpu.memref_squeeze %dma_wait3A_207 : memref<1x1x64xi32, #tpu.memory_space<vmem>> -> memref<64xi32, #tpu.memory_space<vmem>>
      %dma_wait3A_209 = arith.constant 0 : i32
      %dma_wait3A_210 = arith.constant 0 : i32
      %dma_wait3A_211 = tpu.memref_slice %arg2[%dma_wait3A_209, %dma_wait3A_210] : memref<2609152x128xf32, #tpu.memory_space<hbm>> -> memref<2609152x128xf32, #tpu.memory_space<hbm>>
      tpu.wait_indirect_dma semaphore(%arg10 : memref<!tpu.dma_semaphore, #tpu.memory_space<semaphore_mem>>) src(%dma_wait3A_211 : memref<2609152x128xf32, #tpu.memory_space<hbm>>) dst(%dma_wait3A_206 : memref<64x128xf32, #tpu.memory_space<vmem>>)
      %dma_start3A_212 = arith.constant 1 : i32
      %dma_start3A_213 = arith.constant 0 : i32
      %dma_start3A_214 = arith.constant 0 : i32
      %dma_start3A_215 = tpu.memref_slice %arg8[%dma_start3A_212, %dma_start3A_213, %dma_start3A_214] : memref<4x64x128xf32, #tpu.memory_space<vmem>> -> memref<1x64x128xf32, #tpu.memory_space<vmem>>
      %dma_start3A_216 = tpu.memref_squeeze %dma_start3A_215 : memref<1x64x128xf32, #tpu.memory_space<vmem>> -> memref<64x128xf32, #tpu.memory_space<vmem>>
      %dma_start3A_217 = arith.constant 0 : i32
      %dma_start3A_218 = tpu.memref_slice %arg6[%rem3A_195, %dma_start3A_217] : memref<8x64xi32, #tpu.memory_space<vmem>> -> memref<1x64xi32, #tpu.memory_space<vmem>>
      %dma_start3A_219 = tpu.memref_squeeze %dma_start3A_218 : memref<1x64xi32, #tpu.memory_space<vmem>> -> memref<64xi32, #tpu.memory_space<vmem>>
      %dma_start3A_220 = arith.constant 0 : i32
      %dma_start3A_221 = arith.constant 0 : i32
      %dma_start3A_222 = tpu.memref_slice %arg7[%dma_start3A_220, %dma_start3A_221] : memref<8192x128xf32, #tpu.memory_space<vmem_shared>> -> memref<8192x128xf32, #tpu.memory_space<vmem_shared>>
      tpu.enqueue_indirect_dma source(%dma_start3A_216 : memref<64x128xf32, #tpu.memory_space<vmem>>) target(%dma_start3A_222 : memref<8192x128xf32, #tpu.memory_space<vmem_shared>>) offsets(%dma_start3A_219 : memref<64xi32, #tpu.memory_space<vmem>>) semaphore(%arg14 : memref<!tpu.dma_semaphore, #tpu.memory_space<semaphore_mem>>) {add = true}
      %add3A_223 = arith.constant 2 : i32
      %add3A_224 = arith.addi %add3A_157, %add3A_223 : i32
      %div3A_225 = arith.constant 8 : i32
      %div3A_226 = arith.divsi %add3A_224, %div3A_225 : i32
      %rem3A_227 = arith.constant 8 : i32
      %rem3A_228 = arith.remsi %add3A_224, %rem3A_227 : i32
      %div3A_229 = arith.constant 2 : i32
      %div3A_230 = arith.divsi %rem3A_228, %div3A_229 : i32
      %rem3A_231 = arith.constant 2 : i32
      %rem3A_232 = arith.remsi %rem3A_228, %rem3A_231 : i32
      %mul3A_233 = arith.constant 64 : i32
      %mul3A_234 = arith.muli %rem3A_232, %mul3A_233 : i32
      %dma_wait3A_235 = arith.constant 2 : i32
      %dma_wait3A_236 = arith.constant 0 : i32
      %dma_wait3A_237 = arith.constant 0 : i32
      %dma_wait3A_238 = tpu.memref_slice %arg8[%dma_wait3A_235, %dma_wait3A_236, %dma_wait3A_237] : memref<4x64x128xf32, #tpu.memory_space<vmem>> -> memref<1x64x128xf32, #tpu.memory_space<vmem>>
      %dma_wait3A_239 = tpu.memref_squeeze %dma_wait3A_238 : memref<1x64x128xf32, #tpu.memory_space<vmem>> -> memref<64x128xf32, #tpu.memory_space<vmem>>
      %dma_wait3A_240 = tpu.memref_slice %arg5[%div3A_226, %div3A_230, %mul3A_234] : memref<26x4x128xi32, #tpu.memory_space<vmem>> -> memref<1x1x64xi32, #tpu.memory_space<vmem>>
      %dma_wait3A_241 = tpu.memref_squeeze %dma_wait3A_240 : memref<1x1x64xi32, #tpu.memory_space<vmem>> -> memref<64xi32, #tpu.memory_space<vmem>>
      %dma_wait3A_242 = arith.constant 0 : i32
      %dma_wait3A_243 = arith.constant 0 : i32
      %dma_wait3A_244 = tpu.memref_slice %arg2[%dma_wait3A_242, %dma_wait3A_243] : memref<2609152x128xf32, #tpu.memory_space<hbm>> -> memref<2609152x128xf32, #tpu.memory_space<hbm>>
      tpu.wait_indirect_dma semaphore(%arg11 : memref<!tpu.dma_semaphore, #tpu.memory_space<semaphore_mem>>) src(%dma_wait3A_244 : memref<2609152x128xf32, #tpu.memory_space<hbm>>) dst(%dma_wait3A_239 : memref<64x128xf32, #tpu.memory_space<vmem>>)
      %dma_start3A_245 = arith.constant 2 : i32
      %dma_start3A_246 = arith.constant 0 : i32
      %dma_start3A_247 = arith.constant 0 : i32
      %dma_start3A_248 = tpu.memref_slice %arg8[%dma_start3A_245, %dma_start3A_246, %dma_start3A_247] : memref<4x64x128xf32, #tpu.memory_space<vmem>> -> memref<1x64x128xf32, #tpu.memory_space<vmem>>
      %dma_start3A_249 = tpu.memref_squeeze %dma_start3A_248 : memref<1x64x128xf32, #tpu.memory_space<vmem>> -> memref<64x128xf32, #tpu.memory_space<vmem>>
      %dma_start3A_250 = arith.constant 0 : i32
      %dma_start3A_251 = tpu.memref_slice %arg6[%rem3A_228, %dma_start3A_250] : memref<8x64xi32, #tpu.memory_space<vmem>> -> memref<1x64xi32, #tpu.memory_space<vmem>>
      %dma_start3A_252 = tpu.memref_squeeze %dma_start3A_251 : memref<1x64xi32, #tpu.memory_space<vmem>> -> memref<64xi32, #tpu.memory_space<vmem>>
      %dma_start3A_253 = arith.constant 0 : i32
      %dma_start3A_254 = arith.constant 0 : i32
      %dma_start3A_255 = tpu.memref_slice %arg7[%dma_start3A_253, %dma_start3A_254] : memref<8192x128xf32, #tpu.memory_space<vmem_shared>> -> memref<8192x128xf32, #tpu.memory_space<vmem_shared>>
      tpu.enqueue_indirect_dma source(%dma_start3A_249 : memref<64x128xf32, #tpu.memory_space<vmem>>) target(%dma_start3A_255 : memref<8192x128xf32, #tpu.memory_space<vmem_shared>>) offsets(%dma_start3A_252 : memref<64xi32, #tpu.memory_space<vmem>>) semaphore(%arg15 : memref<!tpu.dma_semaphore, #tpu.memory_space<semaphore_mem>>) {add = true}
      %add3A_256 = arith.constant 3 : i32
      %add3A_257 = arith.addi %add3A_157, %add3A_256 : i32
      %div3A_258 = arith.constant 8 : i32
      %div3A_259 = arith.divsi %add3A_257, %div3A_258 : i32
      %rem3A_260 = arith.constant 8 : i32
      %rem3A_261 = arith.remsi %add3A_257, %rem3A_260 : i32
      %div3A_262 = arith.constant 2 : i32
      %div3A_263 = arith.divsi %rem3A_261, %div3A_262 : i32
      %rem3A_264 = arith.constant 2 : i32
      %rem3A_265 = arith.remsi %rem3A_261, %rem3A_264 : i32
      %mul3A_266 = arith.constant 64 : i32
      %mul3A_267 = arith.muli %rem3A_265, %mul3A_266 : i32
      %dma_wait3A_268 = arith.constant 3 : i32
      %dma_wait3A_269 = arith.constant 0 : i32
      %dma_wait3A_270 = arith.constant 0 : i32
      %dma_wait3A_271 = tpu.memref_slice %arg8[%dma_wait3A_268, %dma_wait3A_269, %dma_wait3A_270] : memref<4x64x128xf32, #tpu.memory_space<vmem>> -> memref<1x64x128xf32, #tpu.memory_space<vmem>>
      %dma_wait3A_272 = tpu.memref_squeeze %dma_wait3A_271 : memref<1x64x128xf32, #tpu.memory_space<vmem>> -> memref<64x128xf32, #tpu.memory_space<vmem>>
      %dma_wait3A_273 = tpu.memref_slice %arg5[%div3A_259, %div3A_263, %mul3A_267] : memref<26x4x128xi32, #tpu.memory_space<vmem>> -> memref<1x1x64xi32, #tpu.memory_space<vmem>>
      %dma_wait3A_274 = tpu.memref_squeeze %dma_wait3A_273 : memref<1x1x64xi32, #tpu.memory_space<vmem>> -> memref<64xi32, #tpu.memory_space<vmem>>
      %dma_wait3A_275 = arith.constant 0 : i32
      %dma_wait3A_276 = arith.constant 0 : i32
      %dma_wait3A_277 = tpu.memref_slice %arg2[%dma_wait3A_275, %dma_wait3A_276] : memref<2609152x128xf32, #tpu.memory_space<hbm>> -> memref<2609152x128xf32, #tpu.memory_space<hbm>>
      tpu.wait_indirect_dma semaphore(%arg12 : memref<!tpu.dma_semaphore, #tpu.memory_space<semaphore_mem>>) src(%dma_wait3A_277 : memref<2609152x128xf32, #tpu.memory_space<hbm>>) dst(%dma_wait3A_272 : memref<64x128xf32, #tpu.memory_space<vmem>>)
      %dma_start3A_278 = arith.constant 3 : i32
      %dma_start3A_279 = arith.constant 0 : i32
      %dma_start3A_280 = arith.constant 0 : i32
      %dma_start3A_281 = tpu.memref_slice %arg8[%dma_start3A_278, %dma_start3A_279, %dma_start3A_280] : memref<4x64x128xf32, #tpu.memory_space<vmem>> -> memref<1x64x128xf32, #tpu.memory_space<vmem>>
      %dma_start3A_282 = tpu.memref_squeeze %dma_start3A_281 : memref<1x64x128xf32, #tpu.memory_space<vmem>> -> memref<64x128xf32, #tpu.memory_space<vmem>>
      %dma_start3A_283 = arith.constant 0 : i32
      %dma_start3A_284 = tpu.memref_slice %arg6[%rem3A_261, %dma_start3A_283] : memref<8x64xi32, #tpu.memory_space<vmem>> -> memref<1x64xi32, #tpu.memory_space<vmem>>
      %dma_start3A_285 = tpu.memref_squeeze %dma_start3A_284 : memref<1x64xi32, #tpu.memory_space<vmem>> -> memref<64xi32, #tpu.memory_space<vmem>>
      %dma_start3A_286 = arith.constant 0 : i32
      %dma_start3A_287 = arith.constant 0 : i32
      %dma_start3A_288 = tpu.memref_slice %arg7[%dma_start3A_286, %dma_start3A_287] : memref<8192x128xf32, #tpu.memory_space<vmem_shared>> -> memref<8192x128xf32, #tpu.memory_space<vmem_shared>>
      tpu.enqueue_indirect_dma source(%dma_start3A_282 : memref<64x128xf32, #tpu.memory_space<vmem>>) target(%dma_start3A_288 : memref<8192x128xf32, #tpu.memory_space<vmem_shared>>) offsets(%dma_start3A_285 : memref<64xi32, #tpu.memory_space<vmem>>) semaphore(%arg16 : memref<!tpu.dma_semaphore, #tpu.memory_space<semaphore_mem>>) {add = true}
      %add3A_289 = arith.constant 0 : i32
      %add3A_290 = arith.addi %add3A_157, %add3A_289 : i32
      %div3A_291 = arith.constant 8 : i32
      %div3A_292 = arith.divsi %add3A_290, %div3A_291 : i32
      %rem3A_293 = arith.constant 8 : i32
      %rem3A_294 = arith.remsi %add3A_290, %rem3A_293 : i32
      %div3A_295 = arith.constant 2 : i32
      %div3A_296 = arith.divsi %rem3A_294, %div3A_295 : i32
      %rem3A_297 = arith.constant 2 : i32
      %rem3A_298 = arith.remsi %rem3A_294, %rem3A_297 : i32
      %mul3A_299 = arith.constant 64 : i32
      %mul3A_300 = arith.muli %rem3A_298, %mul3A_299 : i32
      %dma_wait3A_301 = arith.constant 0 : i32
      %dma_wait3A_302 = arith.constant 0 : i32
      %dma_wait3A_303 = arith.constant 0 : i32
      %dma_wait3A_304 = tpu.memref_slice %arg8[%dma_wait3A_301, %dma_wait3A_302, %dma_wait3A_303] : memref<4x64x128xf32, #tpu.memory_space<vmem>> -> memref<1x64x128xf32, #tpu.memory_space<vmem>>
      %dma_wait3A_305 = tpu.memref_squeeze %dma_wait3A_304 : memref<1x64x128xf32, #tpu.memory_space<vmem>> -> memref<64x128xf32, #tpu.memory_space<vmem>>
      %dma_wait3A_306 = arith.constant 0 : i32
      %dma_wait3A_307 = tpu.memref_slice %arg6[%rem3A_294, %dma_wait3A_306] : memref<8x64xi32, #tpu.memory_space<vmem>> -> memref<1x64xi32, #tpu.memory_space<vmem>>
      %dma_wait3A_308 = tpu.memref_squeeze %dma_wait3A_307 : memref<1x64xi32, #tpu.memory_space<vmem>> -> memref<64xi32, #tpu.memory_space<vmem>>
      %dma_wait3A_309 = arith.constant 0 : i32
      %dma_wait3A_310 = arith.constant 0 : i32
      %dma_wait3A_311 = tpu.memref_slice %arg7[%dma_wait3A_309, %dma_wait3A_310] : memref<8192x128xf32, #tpu.memory_space<vmem_shared>> -> memref<8192x128xf32, #tpu.memory_space<vmem_shared>>
      tpu.wait_indirect_dma semaphore(%arg13 : memref<!tpu.dma_semaphore, #tpu.memory_space<semaphore_mem>>) src(%dma_wait3A_305 : memref<64x128xf32, #tpu.memory_space<vmem>>) dst(%dma_wait3A_311 : memref<8192x128xf32, #tpu.memory_space<vmem_shared>>)
      %add3A_312 = arith.constant 4 : i32
      %add3A_313 = arith.addi %add3A_157, %add3A_312 : i32
      %add3A_314 = arith.constant 0 : i32
      %add3A_315 = arith.addi %add3A_313, %add3A_314 : i32
      %lt3A = arith.constant 208 : i32
      %lt3A_316 = arith.cmpi slt, %add3A_315, %lt3A : i32
      %convert_element_type3A = arith.extui %lt3A_316 : i1 to i32
      %cond3A = arith.constant 0 : i32
      %cond3A_317 = arith.cmpi ne, %convert_element_type3A, %cond3A : i32
      scf.if %cond3A_317 {
        %add3A_414 = arith.constant 4 : i32
        %add3A_415 = arith.addi %add3A_157, %add3A_414 : i32
        %add3A_416 = arith.constant 0 : i32
        %add3A_417 = arith.addi %add3A_415, %add3A_416 : i32
        %div3A_418 = arith.constant 8 : i32
        %div3A_419 = arith.divsi %add3A_417, %div3A_418 : i32
        %rem3A_420 = arith.constant 8 : i32
        %rem3A_421 = arith.remsi %add3A_417, %rem3A_420 : i32
        %div3A_422 = arith.constant 2 : i32
        %div3A_423 = arith.divsi %rem3A_421, %div3A_422 : i32
        %rem3A_424 = arith.constant 2 : i32
        %rem3A_425 = arith.remsi %rem3A_421, %rem3A_424 : i32
        %mul3A_426 = arith.constant 64 : i32
        %mul3A_427 = arith.muli %rem3A_425, %mul3A_426 : i32
        %dma_start3A_428 = arith.constant 0 : i32
        %dma_start3A_429 = arith.constant 0 : i32
        %dma_start3A_430 = arith.constant 0 : i32
        %dma_start3A_431 = tpu.memref_slice %arg8[%dma_start3A_428, %dma_start3A_429, %dma_start3A_430] : memref<4x64x128xf32, #tpu.memory_space<vmem>> -> memref<1x64x128xf32, #tpu.memory_space<vmem>>
        %dma_start3A_432 = tpu.memref_squeeze %dma_start3A_431 : memref<1x64x128xf32, #tpu.memory_space<vmem>> -> memref<64x128xf32, #tpu.memory_space<vmem>>
        %dma_start3A_433 = tpu.memref_slice %arg5[%div3A_419, %div3A_423, %mul3A_427] : memref<26x4x128xi32, #tpu.memory_space<vmem>> -> memref<1x1x64xi32, #tpu.memory_space<vmem>>
        %dma_start3A_434 = tpu.memref_squeeze %dma_start3A_433 : memref<1x1x64xi32, #tpu.memory_space<vmem>> -> memref<64xi32, #tpu.memory_space<vmem>>
        %dma_start3A_435 = arith.constant 0 : i32
        %dma_start3A_436 = arith.constant 0 : i32
        %dma_start3A_437 = tpu.memref_slice %arg2[%dma_start3A_435, %dma_start3A_436] : memref<2609152x128xf32, #tpu.memory_space<hbm>> -> memref<2609152x128xf32, #tpu.memory_space<hbm>>
        tpu.enqueue_indirect_dma source(%dma_start3A_437 : memref<2609152x128xf32, #tpu.memory_space<hbm>>) target(%dma_start3A_432 : memref<64x128xf32, #tpu.memory_space<vmem>>) offsets(%dma_start3A_434 : memref<64xi32, #tpu.memory_space<vmem>>) semaphore(%arg9 : memref<!tpu.dma_semaphore, #tpu.memory_space<semaphore_mem>>)
      } else {
      }
      %add3A_318 = arith.constant 1 : i32
      %add3A_319 = arith.addi %add3A_157, %add3A_318 : i32
      %div3A_320 = arith.constant 8 : i32
      %div3A_321 = arith.divsi %add3A_319, %div3A_320 : i32
      %rem3A_322 = arith.constant 8 : i32
      %rem3A_323 = arith.remsi %add3A_319, %rem3A_322 : i32
      %div3A_324 = arith.constant 2 : i32
      %div3A_325 = arith.divsi %rem3A_323, %div3A_324 : i32
      %rem3A_326 = arith.constant 2 : i32
      %rem3A_327 = arith.remsi %rem3A_323, %rem3A_326 : i32
      %mul3A_328 = arith.constant 64 : i32
      %mul3A_329 = arith.muli %rem3A_327, %mul3A_328 : i32
      %dma_wait3A_330 = arith.constant 1 : i32
      %dma_wait3A_331 = arith.constant 0 : i32
      %dma_wait3A_332 = arith.constant 0 : i32
      %dma_wait3A_333 = tpu.memref_slice %arg8[%dma_wait3A_330, %dma_wait3A_331, %dma_wait3A_332] : memref<4x64x128xf32, #tpu.memory_space<vmem>> -> memref<1x64x128xf32, #tpu.memory_space<vmem>>
      %dma_wait3A_334 = tpu.memref_squeeze %dma_wait3A_333 : memref<1x64x128xf32, #tpu.memory_space<vmem>> -> memref<64x128xf32, #tpu.memory_space<vmem>>
      %dma_wait3A_335 = arith.constant 0 : i32
      %dma_wait3A_336 = tpu.memref_slice %arg6[%rem3A_323, %dma_wait3A_335] : memref<8x64xi32, #tpu.memory_space<vmem>> -> memref<1x64xi32, #tpu.memory_space<vmem>>
      %dma_wait3A_337 = tpu.memref_squeeze %dma_wait3A_336 : memref<1x64xi32, #tpu.memory_space<vmem>> -> memref<64xi32, #tpu.memory_space<vmem>>
      %dma_wait3A_338 = arith.constant 0 : i32
      %dma_wait3A_339 = arith.constant 0 : i32
      %dma_wait3A_340 = tpu.memref_slice %arg7[%dma_wait3A_338, %dma_wait3A_339] : memref<8192x128xf32, #tpu.memory_space<vmem_shared>> -> memref<8192x128xf32, #tpu.memory_space<vmem_shared>>
      tpu.wait_indirect_dma semaphore(%arg14 : memref<!tpu.dma_semaphore, #tpu.memory_space<semaphore_mem>>) src(%dma_wait3A_334 : memref<64x128xf32, #tpu.memory_space<vmem>>) dst(%dma_wait3A_340 : memref<8192x128xf32, #tpu.memory_space<vmem_shared>>)
      %add3A_341 = arith.constant 4 : i32
      %add3A_342 = arith.addi %add3A_157, %add3A_341 : i32
      %add3A_343 = arith.constant 1 : i32
      %add3A_344 = arith.addi %add3A_342, %add3A_343 : i32
      %lt3A_345 = arith.constant 208 : i32
      %lt3A_346 = arith.cmpi slt, %add3A_344, %lt3A_345 : i32
      %convert_element_type3A_347 = arith.extui %lt3A_346 : i1 to i32
      %cond3A_348 = arith.constant 0 : i32
      %cond3A_349 = arith.cmpi ne, %convert_element_type3A_347, %cond3A_348 : i32
      scf.if %cond3A_349 {
        %add3A_414 = arith.constant 4 : i32
        %add3A_415 = arith.addi %add3A_157, %add3A_414 : i32
        %add3A_416 = arith.constant 1 : i32
        %add3A_417 = arith.addi %add3A_415, %add3A_416 : i32
        %div3A_418 = arith.constant 8 : i32
        %div3A_419 = arith.divsi %add3A_417, %div3A_418 : i32
        %rem3A_420 = arith.constant 8 : i32
        %rem3A_421 = arith.remsi %add3A_417, %rem3A_420 : i32
        %div3A_422 = arith.constant 2 : i32
        %div3A_423 = arith.divsi %rem3A_421, %div3A_422 : i32
        %rem3A_424 = arith.constant 2 : i32
        %rem3A_425 = arith.remsi %rem3A_421, %rem3A_424 : i32
        %mul3A_426 = arith.constant 64 : i32
        %mul3A_427 = arith.muli %rem3A_425, %mul3A_426 : i32
        %dma_start3A_428 = arith.constant 1 : i32
        %dma_start3A_429 = arith.constant 0 : i32
        %dma_start3A_430 = arith.constant 0 : i32
        %dma_start3A_431 = tpu.memref_slice %arg8[%dma_start3A_428, %dma_start3A_429, %dma_start3A_430] : memref<4x64x128xf32, #tpu.memory_space<vmem>> -> memref<1x64x128xf32, #tpu.memory_space<vmem>>
        %dma_start3A_432 = tpu.memref_squeeze %dma_start3A_431 : memref<1x64x128xf32, #tpu.memory_space<vmem>> -> memref<64x128xf32, #tpu.memory_space<vmem>>
        %dma_start3A_433 = tpu.memref_slice %arg5[%div3A_419, %div3A_423, %mul3A_427] : memref<26x4x128xi32, #tpu.memory_space<vmem>> -> memref<1x1x64xi32, #tpu.memory_space<vmem>>
        %dma_start3A_434 = tpu.memref_squeeze %dma_start3A_433 : memref<1x1x64xi32, #tpu.memory_space<vmem>> -> memref<64xi32, #tpu.memory_space<vmem>>
        %dma_start3A_435 = arith.constant 0 : i32
        %dma_start3A_436 = arith.constant 0 : i32
        %dma_start3A_437 = tpu.memref_slice %arg2[%dma_start3A_435, %dma_start3A_436] : memref<2609152x128xf32, #tpu.memory_space<hbm>> -> memref<2609152x128xf32, #tpu.memory_space<hbm>>
        tpu.enqueue_indirect_dma source(%dma_start3A_437 : memref<2609152x128xf32, #tpu.memory_space<hbm>>) target(%dma_start3A_432 : memref<64x128xf32, #tpu.memory_space<vmem>>) offsets(%dma_start3A_434 : memref<64xi32, #tpu.memory_space<vmem>>) semaphore(%arg10 : memref<!tpu.dma_semaphore, #tpu.memory_space<semaphore_mem>>)
      } else {
      }
      %add3A_350 = arith.constant 2 : i32
      %add3A_351 = arith.addi %add3A_157, %add3A_350 : i32
      %div3A_352 = arith.constant 8 : i32
      %div3A_353 = arith.divsi %add3A_351, %div3A_352 : i32
      %rem3A_354 = arith.constant 8 : i32
      %rem3A_355 = arith.remsi %add3A_351, %rem3A_354 : i32
      %div3A_356 = arith.constant 2 : i32
      %div3A_357 = arith.divsi %rem3A_355, %div3A_356 : i32
      %rem3A_358 = arith.constant 2 : i32
      %rem3A_359 = arith.remsi %rem3A_355, %rem3A_358 : i32
      %mul3A_360 = arith.constant 64 : i32
      %mul3A_361 = arith.muli %rem3A_359, %mul3A_360 : i32
      %dma_wait3A_362 = arith.constant 2 : i32
      %dma_wait3A_363 = arith.constant 0 : i32
      %dma_wait3A_364 = arith.constant 0 : i32
      %dma_wait3A_365 = tpu.memref_slice %arg8[%dma_wait3A_362, %dma_wait3A_363, %dma_wait3A_364] : memref<4x64x128xf32, #tpu.memory_space<vmem>> -> memref<1x64x128xf32, #tpu.memory_space<vmem>>
      %dma_wait3A_366 = tpu.memref_squeeze %dma_wait3A_365 : memref<1x64x128xf32, #tpu.memory_space<vmem>> -> memref<64x128xf32, #tpu.memory_space<vmem>>
      %dma_wait3A_367 = arith.constant 0 : i32
      %dma_wait3A_368 = tpu.memref_slice %arg6[%rem3A_355, %dma_wait3A_367] : memref<8x64xi32, #tpu.memory_space<vmem>> -> memref<1x64xi32, #tpu.memory_space<vmem>>
      %dma_wait3A_369 = tpu.memref_squeeze %dma_wait3A_368 : memref<1x64xi32, #tpu.memory_space<vmem>> -> memref<64xi32, #tpu.memory_space<vmem>>
      %dma_wait3A_370 = arith.constant 0 : i32
      %dma_wait3A_371 = arith.constant 0 : i32
      %dma_wait3A_372 = tpu.memref_slice %arg7[%dma_wait3A_370, %dma_wait3A_371] : memref<8192x128xf32, #tpu.memory_space<vmem_shared>> -> memref<8192x128xf32, #tpu.memory_space<vmem_shared>>
      tpu.wait_indirect_dma semaphore(%arg15 : memref<!tpu.dma_semaphore, #tpu.memory_space<semaphore_mem>>) src(%dma_wait3A_366 : memref<64x128xf32, #tpu.memory_space<vmem>>) dst(%dma_wait3A_372 : memref<8192x128xf32, #tpu.memory_space<vmem_shared>>)
      %add3A_373 = arith.constant 4 : i32
      %add3A_374 = arith.addi %add3A_157, %add3A_373 : i32
      %add3A_375 = arith.constant 2 : i32
      %add3A_376 = arith.addi %add3A_374, %add3A_375 : i32
      %lt3A_377 = arith.constant 208 : i32
      %lt3A_378 = arith.cmpi slt, %add3A_376, %lt3A_377 : i32
      %convert_element_type3A_379 = arith.extui %lt3A_378 : i1 to i32
      %cond3A_380 = arith.constant 0 : i32
      %cond3A_381 = arith.cmpi ne, %convert_element_type3A_379, %cond3A_380 : i32
      scf.if %cond3A_381 {
        %add3A_414 = arith.constant 4 : i32
        %add3A_415 = arith.addi %add3A_157, %add3A_414 : i32
        %add3A_416 = arith.constant 2 : i32
        %add3A_417 = arith.addi %add3A_415, %add3A_416 : i32
        %div3A_418 = arith.constant 8 : i32
        %div3A_419 = arith.divsi %add3A_417, %div3A_418 : i32
        %rem3A_420 = arith.constant 8 : i32
        %rem3A_421 = arith.remsi %add3A_417, %rem3A_420 : i32
        %div3A_422 = arith.constant 2 : i32
        %div3A_423 = arith.divsi %rem3A_421, %div3A_422 : i32
        %rem3A_424 = arith.constant 2 : i32
        %rem3A_425 = arith.remsi %rem3A_421, %rem3A_424 : i32
        %mul3A_426 = arith.constant 64 : i32
        %mul3A_427 = arith.muli %rem3A_425, %mul3A_426 : i32
        %dma_start3A_428 = arith.constant 2 : i32
        %dma_start3A_429 = arith.constant 0 : i32
        %dma_start3A_430 = arith.constant 0 : i32
        %dma_start3A_431 = tpu.memref_slice %arg8[%dma_start3A_428, %dma_start3A_429, %dma_start3A_430] : memref<4x64x128xf32, #tpu.memory_space<vmem>> -> memref<1x64x128xf32, #tpu.memory_space<vmem>>
        %dma_start3A_432 = tpu.memref_squeeze %dma_start3A_431 : memref<1x64x128xf32, #tpu.memory_space<vmem>> -> memref<64x128xf32, #tpu.memory_space<vmem>>
        %dma_start3A_433 = tpu.memref_slice %arg5[%div3A_419, %div3A_423, %mul3A_427] : memref<26x4x128xi32, #tpu.memory_space<vmem>> -> memref<1x1x64xi32, #tpu.memory_space<vmem>>
        %dma_start3A_434 = tpu.memref_squeeze %dma_start3A_433 : memref<1x1x64xi32, #tpu.memory_space<vmem>> -> memref<64xi32, #tpu.memory_space<vmem>>
        %dma_start3A_435 = arith.constant 0 : i32
        %dma_start3A_436 = arith.constant 0 : i32
        %dma_start3A_437 = tpu.memref_slice %arg2[%dma_start3A_435, %dma_start3A_436] : memref<2609152x128xf32, #tpu.memory_space<hbm>> -> memref<2609152x128xf32, #tpu.memory_space<hbm>>
        tpu.enqueue_indirect_dma source(%dma_start3A_437 : memref<2609152x128xf32, #tpu.memory_space<hbm>>) target(%dma_start3A_432 : memref<64x128xf32, #tpu.memory_space<vmem>>) offsets(%dma_start3A_434 : memref<64xi32, #tpu.memory_space<vmem>>) semaphore(%arg11 : memref<!tpu.dma_semaphore, #tpu.memory_space<semaphore_mem>>)
      } else {
      }
      %add3A_382 = arith.constant 3 : i32
      %add3A_383 = arith.addi %add3A_157, %add3A_382 : i32
      %div3A_384 = arith.constant 8 : i32
      %div3A_385 = arith.divsi %add3A_383, %div3A_384 : i32
      %rem3A_386 = arith.constant 8 : i32
      %rem3A_387 = arith.remsi %add3A_383, %rem3A_386 : i32
      %div3A_388 = arith.constant 2 : i32
      %div3A_389 = arith.divsi %rem3A_387, %div3A_388 : i32
      %rem3A_390 = arith.constant 2 : i32
      %rem3A_391 = arith.remsi %rem3A_387, %rem3A_390 : i32
      %mul3A_392 = arith.constant 64 : i32
      %mul3A_393 = arith.muli %rem3A_391, %mul3A_392 : i32
      %dma_wait3A_394 = arith.constant 3 : i32
      %dma_wait3A_395 = arith.constant 0 : i32
      %dma_wait3A_396 = arith.constant 0 : i32
      %dma_wait3A_397 = tpu.memref_slice %arg8[%dma_wait3A_394, %dma_wait3A_395, %dma_wait3A_396] : memref<4x64x128xf32, #tpu.memory_space<vmem>> -> memref<1x64x128xf32, #tpu.memory_space<vmem>>
      %dma_wait3A_398 = tpu.memref_squeeze %dma_wait3A_397 : memref<1x64x128xf32, #tpu.memory_space<vmem>> -> memref<64x128xf32, #tpu.memory_space<vmem>>
      %dma_wait3A_399 = arith.constant 0 : i32
      %dma_wait3A_400 = tpu.memref_slice %arg6[%rem3A_387, %dma_wait3A_399] : memref<8x64xi32, #tpu.memory_space<vmem>> -> memref<1x64xi32, #tpu.memory_space<vmem>>
      %dma_wait3A_401 = tpu.memref_squeeze %dma_wait3A_400 : memref<1x64xi32, #tpu.memory_space<vmem>> -> memref<64xi32, #tpu.memory_space<vmem>>
      %dma_wait3A_402 = arith.constant 0 : i32
      %dma_wait3A_403 = arith.constant 0 : i32
      %dma_wait3A_404 = tpu.memref_slice %arg7[%dma_wait3A_402, %dma_wait3A_403] : memref<8192x128xf32, #tpu.memory_space<vmem_shared>> -> memref<8192x128xf32, #tpu.memory_space<vmem_shared>>
      tpu.wait_indirect_dma semaphore(%arg16 : memref<!tpu.dma_semaphore, #tpu.memory_space<semaphore_mem>>) src(%dma_wait3A_398 : memref<64x128xf32, #tpu.memory_space<vmem>>) dst(%dma_wait3A_404 : memref<8192x128xf32, #tpu.memory_space<vmem_shared>>)
      %add3A_405 = arith.constant 4 : i32
      %add3A_406 = arith.addi %add3A_157, %add3A_405 : i32
      %add3A_407 = arith.constant 3 : i32
      %add3A_408 = arith.addi %add3A_406, %add3A_407 : i32
      %lt3A_409 = arith.constant 208 : i32
      %lt3A_410 = arith.cmpi slt, %add3A_408, %lt3A_409 : i32
      %convert_element_type3A_411 = arith.extui %lt3A_410 : i1 to i32
      %cond3A_412 = arith.constant 0 : i32
      %cond3A_413 = arith.cmpi ne, %convert_element_type3A_411, %cond3A_412 : i32
      scf.if %cond3A_413 {
        %add3A_414 = arith.constant 4 : i32
        %add3A_415 = arith.addi %add3A_157, %add3A_414 : i32
        %add3A_416 = arith.constant 3 : i32
        %add3A_417 = arith.addi %add3A_415, %add3A_416 : i32
        %div3A_418 = arith.constant 8 : i32
        %div3A_419 = arith.divsi %add3A_417, %div3A_418 : i32
        %rem3A_420 = arith.constant 8 : i32
        %rem3A_421 = arith.remsi %add3A_417, %rem3A_420 : i32
        %div3A_422 = arith.constant 2 : i32
        %div3A_423 = arith.divsi %rem3A_421, %div3A_422 : i32
        %rem3A_424 = arith.constant 2 : i32
        %rem3A_425 = arith.remsi %rem3A_421, %rem3A_424 : i32
        %mul3A_426 = arith.constant 64 : i32
        %mul3A_427 = arith.muli %rem3A_425, %mul3A_426 : i32
        %dma_start3A_428 = arith.constant 3 : i32
        %dma_start3A_429 = arith.constant 0 : i32
        %dma_start3A_430 = arith.constant 0 : i32
        %dma_start3A_431 = tpu.memref_slice %arg8[%dma_start3A_428, %dma_start3A_429, %dma_start3A_430] : memref<4x64x128xf32, #tpu.memory_space<vmem>> -> memref<1x64x128xf32, #tpu.memory_space<vmem>>
        %dma_start3A_432 = tpu.memref_squeeze %dma_start3A_431 : memref<1x64x128xf32, #tpu.memory_space<vmem>> -> memref<64x128xf32, #tpu.memory_space<vmem>>
        %dma_start3A_433 = tpu.memref_slice %arg5[%div3A_419, %div3A_423, %mul3A_427] : memref<26x4x128xi32, #tpu.memory_space<vmem>> -> memref<1x1x64xi32, #tpu.memory_space<vmem>>
        %dma_start3A_434 = tpu.memref_squeeze %dma_start3A_433 : memref<1x1x64xi32, #tpu.memory_space<vmem>> -> memref<64xi32, #tpu.memory_space<vmem>>
        %dma_start3A_435 = arith.constant 0 : i32
        %dma_start3A_436 = arith.constant 0 : i32
        %dma_start3A_437 = tpu.memref_slice %arg2[%dma_start3A_435, %dma_start3A_436] : memref<2609152x128xf32, #tpu.memory_space<hbm>> -> memref<2609152x128xf32, #tpu.memory_space<hbm>>
        tpu.enqueue_indirect_dma source(%dma_start3A_437 : memref<2609152x128xf32, #tpu.memory_space<hbm>>) target(%dma_start3A_432 : memref<64x128xf32, #tpu.memory_space<vmem>>) offsets(%dma_start3A_434 : memref<64xi32, #tpu.memory_space<vmem>>) semaphore(%arg12 : memref<!tpu.dma_semaphore, #tpu.memory_space<semaphore_mem>>)
      } else {
      }
    }
    %scan3A_150 = arith.constant 52 : i32
    %mul3A_151 = arith.constant 512 : i32
    %mul3A_152 = arith.muli %add3A, %mul3A_151 : i32
    "tpu.region"() ({
      %run_scoped3A_153 = tpu.sem_alloc : memref<!tpu.dma_semaphore, #tpu.memory_space<semaphore_mem>>
      %dma_start3A_154 = arith.constant 0 : i32
      %dma_start3A_155 = tpu.memref_slice %arg4[%mul3A_152, %dma_start3A_154] : memref<16384x128xf32, #tpu.memory_space<hbm>> -> memref<512x128xf32, #tpu.memory_space<hbm>>
      %dma_start3A_156 = arith.constant 0 : i32
      %dma_start3A_157 = tpu.memref_slice %arg7[%mul3A_2, %dma_start3A_156] : memref<8192x128xf32, #tpu.memory_space<vmem_shared>> -> memref<512x128xf32, #tpu.memory_space<vmem_shared>>
      tpu.enqueue_dma source(%dma_start3A_157 : memref<512x128xf32, #tpu.memory_space<vmem_shared>>) target(%dma_start3A_155 : memref<512x128xf32, #tpu.memory_space<hbm>>) target_semaphore(%run_scoped3A_153 : memref<!tpu.dma_semaphore, #tpu.memory_space<semaphore_mem>>)
      %dma_wait3A = arith.constant 0 : i32
      %dma_wait3A_158 = tpu.memref_slice %arg4[%mul3A_152, %dma_wait3A] : memref<16384x128xf32, #tpu.memory_space<hbm>> -> memref<512x128xf32, #tpu.memory_space<hbm>>
      %dma_wait3A_159 = arith.constant 0 : i32
      %dma_wait3A_160 = tpu.memref_slice %arg7[%mul3A_2, %dma_wait3A_159] : memref<8192x128xf32, #tpu.memory_space<vmem_shared>> -> memref<512x128xf32, #tpu.memory_space<vmem_shared>>
      tpu.wait_dma2 semaphore(%run_scoped3A_153 : memref<!tpu.dma_semaphore, #tpu.memory_space<semaphore_mem>>) src(%dma_wait3A_160 : memref<512x128xf32, #tpu.memory_space<vmem_shared>>) dst(%dma_wait3A_158 : memref<512x128xf32, #tpu.memory_space<hbm>>)
      tpu.yield
    }) : () -> ()
    return
  }
}

module attributes {stable_mosaic.version = 14 : i64} {
  func.func @kern(%arg0: i32, %arg1: memref<26x32x100002xf32, #tpu.memory_space<any>>, %arg2: memref<2609152x128xf32, #tpu.memory_space<any>>) attributes {dimension_semantics = [#tpu.dimension_semantics<parallel>], iteration_bounds = array<i64: 2>, scalar_prefetch = 0 : i64, scratch_operands = 0 : i64, tpu.core_type = #tpu.core_type<tc>, window_params = [{}, {}]} {
    %mul3A = arith.constant 13 : i32
    %mul3A_0 = arith.muli %arg0, %mul3A : i32
    "tpu.region"() ({
      %run_scoped3A = memref.alloca() : memref<2x1x32x12544xf32, #tpu.memory_space<vmem>>
      %run_scoped3A_1 = tpu.sem_alloc : memref<2x!tpu.dma_semaphore, #tpu.memory_space<semaphore_mem>>
      %run_scoped3A_2 = memref.alloca() : memref<2x12544x128xf32, #tpu.memory_space<vmem>>
      %run_scoped3A_3 = tpu.sem_alloc : memref<2x!tpu.dma_semaphore, #tpu.memory_space<semaphore_mem>>
      %select_n3A = arith.constant true
      %select_n3A_4 = arith.constant 0 : i32
      %select_n3A_5 = arith.constant -1 : i32
      %select_n3A_6 = arith.select %select_n3A, %select_n3A_5, %select_n3A_4 : i32
      %eq3A = arith.constant -1 : i32
      %eq3A_7 = arith.cmpi eq, %select_n3A_6, %eq3A : i32
      %select_n3A_8 = arith.constant 7 : i32
      %select_n3A_9 = arith.select %eq3A_7, %select_n3A_8, %select_n3A_6 : i32
      %select_n3A_10 = arith.constant 0 : i32
      %select_n3A_11 = arith.constant -1 : i32
      %select_n3A_12 = arith.select %eq3A_7, %select_n3A_11, %select_n3A_10 : i32
      %eq3A_13 = arith.constant -1 : i32
      %eq3A_14 = arith.cmpi eq, %select_n3A_12, %eq3A_13 : i32
      %select_n3A_15 = arith.constant 12 : i32
      %select_n3A_16 = arith.select %eq3A_14, %select_n3A_15, %select_n3A_12 : i32
      %add3A = arith.constant 0 : i32
      %add3A_17 = arith.addi %select_n3A_16, %add3A : i32
      %add3A_18 = arith.constant 0 : i32
      %add3A_19 = arith.addi %select_n3A_9, %add3A_18 : i32
      %select_n3A_20 = arith.constant true
      %select_n3A_21 = arith.constant 0 : i32
      %select_n3A_22 = arith.constant 1 : i32
      %select_n3A_23 = arith.select %select_n3A_20, %select_n3A_22, %select_n3A_21 : i32
      %eq3A_24 = arith.constant 8 : i32
      %eq3A_25 = arith.cmpi eq, %select_n3A_23, %eq3A_24 : i32
      %select_n3A_26 = arith.constant 0 : i32
      %select_n3A_27 = arith.select %eq3A_25, %select_n3A_26, %select_n3A_23 : i32
      %select_n3A_28 = arith.constant 0 : i32
      %select_n3A_29 = arith.constant 1 : i32
      %select_n3A_30 = arith.select %eq3A_25, %select_n3A_29, %select_n3A_28 : i32
      %eq3A_31 = arith.constant 13 : i32
      %eq3A_32 = arith.cmpi eq, %select_n3A_30, %eq3A_31 : i32
      %select_n3A_33 = arith.constant 0 : i32
      %select_n3A_34 = arith.select %eq3A_32, %select_n3A_33, %select_n3A_30 : i32
      %add3A_35 = arith.constant 0 : i32
      %add3A_36 = arith.addi %select_n3A_34, %add3A_35 : i32
      %add3A_37 = arith.constant 0 : i32
      %add3A_38 = arith.addi %select_n3A_27, %add3A_37 : i32
      %add3A_39 = arith.constant 1 : i32
      %add3A_40 = arith.addi %select_n3A_27, %add3A_39 : i32
      %select_n3A_41 = arith.constant true
      %select_n3A_42 = arith.select %select_n3A_41, %add3A_40, %select_n3A_27 : i32
      %eq3A_43 = arith.constant 8 : i32
      %eq3A_44 = arith.cmpi eq, %select_n3A_42, %eq3A_43 : i32
      %select_n3A_45 = arith.constant 0 : i32
      %select_n3A_46 = arith.select %eq3A_44, %select_n3A_45, %select_n3A_42 : i32
      %add3A_47 = arith.constant 1 : i32
      %add3A_48 = arith.addi %select_n3A_34, %add3A_47 : i32
      %select_n3A_49 = arith.select %eq3A_44, %add3A_48, %select_n3A_34 : i32
      %eq3A_50 = arith.constant 13 : i32
      %eq3A_51 = arith.cmpi eq, %select_n3A_49, %eq3A_50 : i32
      %select_n3A_52 = arith.constant 0 : i32
      %select_n3A_53 = arith.select %eq3A_51, %select_n3A_52, %select_n3A_49 : i32
      %add3A_54 = arith.constant 0 : i32
      %add3A_55 = arith.addi %select_n3A_53, %add3A_54 : i32
      %add3A_56 = arith.constant 0 : i32
      %add3A_57 = arith.addi %select_n3A_46, %add3A_56 : i32
      "tpu.trace_start"() <{level = 10 : i32, message = "ep_initialize_0"}> : () -> ()
      %rem3A = arith.constant 0 : i32
      %rem3A_58 = arith.constant 2 : i32
      %rem3A_59 = arith.remui %rem3A, %rem3A_58 : i32
      %add3A_60 = arith.constant 0 : i32
      %add3A_61 = arith.addi %mul3A_0, %add3A_60 : i32
      %mul3A_62 = arith.constant 1 : i32
      %mul3A_63 = arith.muli %mul3A_62, %add3A_61 : i32
      %jit3A = arith.constant false
      %jit3A_64 = arith.constant 12288 : i32
      %jit3A_65 = arith.constant 12544 : i32
      %select_n3A_66 = arith.select %jit3A, %jit3A_64, %jit3A_65 : i32
      %multiple_of3A = tpu.assume_multiple %select_n3A_66, 128 : i32
      %dma_start3A = tpu.memref_slice %run_scoped3A_1[%rem3A_59] : memref<2x!tpu.dma_semaphore, #tpu.memory_space<semaphore_mem>> -> memref<1x!tpu.dma_semaphore, #tpu.memory_space<semaphore_mem>>
      %dma_start3A_67 = tpu.memref_squeeze %dma_start3A : memref<1x!tpu.dma_semaphore, #tpu.memory_space<semaphore_mem>> -> memref<!tpu.dma_semaphore, #tpu.memory_space<semaphore_mem>>
      %dma_start3A_68 = arith.constant 0 : i32
      %dma_start3A_69 = arith.constant 0 : i32
      %dma_start3A_70 = arith.constant 0 : i32
      %dma_start3A_71 = tpu.memref_slice %run_scoped3A[%rem3A_59, %dma_start3A_68, %dma_start3A_69, %dma_start3A_70] <%multiple_of3A> : memref<2x1x32x12544xf32, #tpu.memory_space<vmem>> -> memref<1x1x32x?xf32, #tpu.memory_space<vmem>>
      %dma_start3A_72 = tpu.memref_squeeze %dma_start3A_71 : memref<1x1x32x?xf32, #tpu.memory_space<vmem>> -> memref<1x32x?xf32, #tpu.memory_space<vmem>>
      %dma_start3A_73 = arith.constant 0 : i32
      %dma_start3A_74 = arith.constant 0 : i32
      %dma_start3A_75 = tpu.memref_slice %arg1[%mul3A_63, %dma_start3A_73, %dma_start3A_74] <%multiple_of3A> : memref<26x32x100002xf32, #tpu.memory_space<any>> -> memref<1x32x?xf32, #tpu.memory_space<any>>
      tpu.enqueue_dma source(%dma_start3A_75 : memref<1x32x?xf32, #tpu.memory_space<any>>) target(%dma_start3A_72 : memref<1x32x?xf32, #tpu.memory_space<vmem>>) target_semaphore(%dma_start3A_67 : memref<!tpu.dma_semaphore, #tpu.memory_space<semaphore_mem>>)
      %add3A_76 = arith.constant 0 : i32
      %add3A_77 = arith.constant 1 : i32
      %add3A_78 = arith.addi %add3A_76, %add3A_77 : i32
      %select_n3A_79 = arith.constant true
      %select_n3A_80 = arith.constant 0 : i32
      %select_n3A_81 = arith.select %select_n3A_79, %add3A_78, %select_n3A_80 : i32
      "tpu.trace_stop"() : () -> ()
      %scan3A = arith.constant 0 : i32
      %scan3A_82 = arith.constant 0 : i32
      %scan3A_83 = arith.constant 0 : i32
      %scan3A_84 = arith.constant 0 : i32
      %scan3A_85 = arith.constant 0 : i32
      %scan3A_86 = arith.constant 0 : i32
      %scan3A_87 = arith.constant 104 : i32
      %scan3A_88 = arith.addi %scan3A_86, %scan3A_87 : i32
      %scan3A_89 = arith.constant 1 : i32
      %scan3A_90:6 = scf.for %scan3A_182 = %scan3A_86 to %scan3A_88 step %scan3A_89 iter_args(%scan3A_183 = %select_n3A_81, %scan3A_184 = %scan3A, %scan3A_185 = %scan3A_82, %scan3A_186 = %scan3A_83, %scan3A_187 = %scan3A_84, %scan3A_188 = %scan3A_85) -> (i32, i32, i32, i32, i32, i32)  : i32 {
        %eq3A_189 = arith.constant 0 : i32
        %eq3A_190 = arith.cmpi eq, %scan3A_182, %eq3A_189 : i32
        %eq3A_191 = arith.constant 103 : i32
        %eq3A_192 = arith.cmpi eq, %scan3A_182, %eq3A_191 : i32
        %add3A_193 = arith.constant 0 : i32
        %add3A_194 = arith.addi %scan3A_187, %add3A_193 : i32
        %add3A_195 = arith.constant 0 : i32
        %add3A_196 = arith.addi %scan3A_188, %add3A_195 : i32
        %sub3A_197 = arith.constant 1 : i32
        %sub3A_198 = arith.subi %scan3A_188, %sub3A_197 : i32
        %select_n3A_199 = arith.constant true
        %select_n3A_200 = arith.select %select_n3A_199, %sub3A_198, %scan3A_188 : i32
        %eq3A_201 = arith.constant -1 : i32
        %eq3A_202 = arith.cmpi eq, %select_n3A_200, %eq3A_201 : i32
        %select_n3A_203 = arith.constant 7 : i32
        %select_n3A_204 = arith.select %eq3A_202, %select_n3A_203, %select_n3A_200 : i32
        %sub3A_205 = arith.constant 1 : i32
        %sub3A_206 = arith.subi %scan3A_187, %sub3A_205 : i32
        %select_n3A_207 = arith.select %eq3A_202, %sub3A_206, %scan3A_187 : i32
        %eq3A_208 = arith.constant -1 : i32
        %eq3A_209 = arith.cmpi eq, %select_n3A_207, %eq3A_208 : i32
        %select_n3A_210 = arith.constant 12 : i32
        %select_n3A_211 = arith.select %eq3A_209, %select_n3A_210, %select_n3A_207 : i32
        %add3A_212 = arith.constant 0 : i32
        %add3A_213 = arith.addi %select_n3A_211, %add3A_212 : i32
        %add3A_214 = arith.constant 0 : i32
        %add3A_215 = arith.addi %select_n3A_204, %add3A_214 : i32
        %add3A_216 = arith.constant 1 : i32
        %add3A_217 = arith.addi %scan3A_188, %add3A_216 : i32
        %select_n3A_218 = arith.constant true
        %select_n3A_219 = arith.select %select_n3A_218, %add3A_217, %scan3A_188 : i32
        %eq3A_220 = arith.constant 8 : i32
        %eq3A_221 = arith.cmpi eq, %select_n3A_219, %eq3A_220 : i32
        %select_n3A_222 = arith.constant 0 : i32
        %select_n3A_223 = arith.select %eq3A_221, %select_n3A_222, %select_n3A_219 : i32
        %add3A_224 = arith.constant 1 : i32
        %add3A_225 = arith.addi %scan3A_187, %add3A_224 : i32
        %select_n3A_226 = arith.select %eq3A_221, %add3A_225, %scan3A_187 : i32
        %eq3A_227 = arith.constant 13 : i32
        %eq3A_228 = arith.cmpi eq, %select_n3A_226, %eq3A_227 : i32
        %select_n3A_229 = arith.constant 0 : i32
        %select_n3A_230 = arith.select %eq3A_228, %select_n3A_229, %select_n3A_226 : i32
        %add3A_231 = arith.constant 0 : i32
        %add3A_232 = arith.addi %select_n3A_230, %add3A_231 : i32
        %add3A_233 = arith.constant 0 : i32
        %add3A_234 = arith.addi %select_n3A_223, %add3A_233 : i32
        %add3A_235 = arith.constant 1 : i32
        %add3A_236 = arith.addi %select_n3A_223, %add3A_235 : i32
        %select_n3A_237 = arith.constant true
        %select_n3A_238 = arith.select %select_n3A_237, %add3A_236, %select_n3A_223 : i32
        %eq3A_239 = arith.constant 8 : i32
        %eq3A_240 = arith.cmpi eq, %select_n3A_238, %eq3A_239 : i32
        %select_n3A_241 = arith.constant 0 : i32
        %select_n3A_242 = arith.select %eq3A_240, %select_n3A_241, %select_n3A_238 : i32
        %add3A_243 = arith.constant 1 : i32
        %add3A_244 = arith.addi %select_n3A_230, %add3A_243 : i32
        %select_n3A_245 = arith.select %eq3A_240, %add3A_244, %select_n3A_230 : i32
        %eq3A_246 = arith.constant 13 : i32
        %eq3A_247 = arith.cmpi eq, %select_n3A_245, %eq3A_246 : i32
        %select_n3A_248 = arith.constant 0 : i32
        %select_n3A_249 = arith.select %eq3A_247, %select_n3A_248, %select_n3A_245 : i32
        %add3A_250 = arith.constant 0 : i32
        %add3A_251 = arith.addi %select_n3A_249, %add3A_250 : i32
        %add3A_252 = arith.constant 0 : i32
        %add3A_253 = arith.addi %select_n3A_242, %add3A_252 : i32
        %add3A_254 = arith.addi %mul3A_0, %add3A_194 : i32
        %add3A_255 = arith.addi %mul3A_0, %add3A_232 : i32
        %ne3A = arith.cmpi ne, %add3A_254, %add3A_255 : i32
        %ne3A_256 = arith.cmpi ne, %add3A_196, %add3A_234 : i32
        %or3A = arith.constant false
        %or3A_257 = arith.ori %or3A, %ne3A : i1
        %or3A_258 = arith.constant false
        %or3A_259 = arith.ori %or3A_257, %or3A_258 : i1
        %or3A_260 = arith.ori %or3A_259, %ne3A_256 : i1
        %ge3A = arith.constant 103 : i32
        %ge3A_261 = arith.cmpi sge, %scan3A_182, %ge3A : i32
        %not3A = arith.constant true
        %not3A_262 = arith.xori %ge3A_261, %not3A : i1
        %and3A = arith.andi %or3A_260, %not3A_262 : i1
        %convert_element_type3A = arith.extui %and3A : i1 to i32
        %cond3A = arith.constant 0 : i32
        %cond3A_263 = arith.cmpi ne, %convert_element_type3A, %cond3A : i32
        scf.if %cond3A_263 {
          "tpu.trace_start"() <{level = 10 : i32, message = "ep_copy_in"}> : () -> ()
          %rem3A_442 = arith.constant 2 : i32
          %rem3A_443 = arith.remui %scan3A_183, %rem3A_442 : i32
          %add3A_444 = arith.addi %mul3A_0, %add3A_232 : i32
          %mul3A_445 = arith.constant 1 : i32
          %mul3A_446 = arith.muli %mul3A_445, %add3A_444 : i32
          %mul3A_447 = arith.constant 12544 : i32
          %mul3A_448 = arith.muli %mul3A_447, %add3A_234 : i32
          %eq3A_449 = arith.constant 7 : i32
          %eq3A_450 = arith.cmpi eq, %add3A_234, %eq3A_449 : i32
          %jit3A_451 = arith.constant 12288 : i32
          %jit3A_452 = arith.constant 12544 : i32
          %select_n3A_453 = arith.select %eq3A_450, %jit3A_451, %jit3A_452 : i32
          %multiple_of3A_454 = tpu.assume_multiple %select_n3A_453, 128 : i32
          %mul3A_455 = arith.constant 12544 : i32
          %mul3A_456 = arith.muli %add3A_234, %mul3A_455 : i32
          %dma_start3A_457 = tpu.memref_slice %run_scoped3A_1[%rem3A_443] : memref<2x!tpu.dma_semaphore, #tpu.memory_space<semaphore_mem>> -> memref<1x!tpu.dma_semaphore, #tpu.memory_space<semaphore_mem>>
          %dma_start3A_458 = tpu.memref_squeeze %dma_start3A_457 : memref<1x!tpu.dma_semaphore, #tpu.memory_space<semaphore_mem>> -> memref<!tpu.dma_semaphore, #tpu.memory_space<semaphore_mem>>
          %dma_start3A_459 = arith.constant 0 : i32
          %dma_start3A_460 = arith.constant 0 : i32
          %dma_start3A_461 = arith.constant 0 : i32
          %dma_start3A_462 = tpu.memref_slice %run_scoped3A[%rem3A_443, %dma_start3A_459, %dma_start3A_460, %dma_start3A_461] <%multiple_of3A_454> : memref<2x1x32x12544xf32, #tpu.memory_space<vmem>> -> memref<1x1x32x?xf32, #tpu.memory_space<vmem>>
          %dma_start3A_463 = tpu.memref_squeeze %dma_start3A_462 : memref<1x1x32x?xf32, #tpu.memory_space<vmem>> -> memref<1x32x?xf32, #tpu.memory_space<vmem>>
          %dma_start3A_464 = arith.constant 0 : i32
          %dma_start3A_465 = tpu.memref_slice %arg1[%mul3A_446, %dma_start3A_464, %mul3A_456] <%multiple_of3A_454> : memref<26x32x100002xf32, #tpu.memory_space<any>> -> memref<1x32x?xf32, #tpu.memory_space<any>>
          tpu.enqueue_dma source(%dma_start3A_465 : memref<1x32x?xf32, #tpu.memory_space<any>>) target(%dma_start3A_463 : memref<1x32x?xf32, #tpu.memory_space<vmem>>) target_semaphore(%dma_start3A_458 : memref<!tpu.dma_semaphore, #tpu.memory_space<semaphore_mem>>)
          "tpu.trace_stop"() : () -> ()
        } else {
        }
        %and3A_264 = arith.constant true
        %and3A_265 = arith.andi %and3A, %and3A_264 : i1
        %add3A_266 = arith.constant 1 : i32
        %add3A_267 = arith.addi %scan3A_183, %add3A_266 : i32
        %select_n3A_268 = arith.select %and3A_265, %add3A_267, %scan3A_183 : i32
        %add3A_269 = arith.addi %mul3A_0, %add3A_194 : i32
        %mul3A_270 = arith.constant 8 : i32
        %mul3A_271 = arith.muli %add3A_269, %mul3A_270 : i32
        %add3A_272 = arith.addi %mul3A_271, %add3A_196 : i32
        %add3A_273 = arith.addi %mul3A_0, %add3A_232 : i32
        %mul3A_274 = arith.constant 8 : i32
        %mul3A_275 = arith.muli %add3A_273, %mul3A_274 : i32
        %add3A_276 = arith.addi %mul3A_275, %add3A_234 : i32
        %ne3A_277 = arith.cmpi ne, %add3A_272, %add3A_276 : i32
        %or3A_278 = arith.constant false
        %or3A_279 = arith.ori %or3A_278, %ne3A_277 : i1
        %or3A_280 = arith.constant false
        %or3A_281 = arith.ori %or3A_279, %or3A_280 : i1
        %ge3A_282 = arith.constant 103 : i32
        %ge3A_283 = arith.cmpi sge, %scan3A_182, %ge3A_282 : i32
        %not3A_284 = arith.constant true
        %not3A_285 = arith.xori %ge3A_283, %not3A_284 : i1
        %and3A_286 = arith.andi %or3A_281, %not3A_285 : i1
        %add3A_287 = arith.addi %mul3A_0, %add3A_194 : i32
        %add3A_288 = arith.addi %mul3A_0, %add3A_213 : i32
        %ne3A_289 = arith.cmpi ne, %add3A_287, %add3A_288 : i32
        %ne3A_290 = arith.cmpi ne, %add3A_196, %add3A_215 : i32
        %or3A_291 = arith.constant false
        %or3A_292 = arith.ori %or3A_291, %ne3A_289 : i1
        %or3A_293 = arith.constant false
        %or3A_294 = arith.ori %or3A_292, %or3A_293 : i1
        %or3A_295 = arith.ori %or3A_294, %ne3A_290 : i1
        %or3A_296 = arith.ori %or3A_295, %eq3A_190 : i1
        %convert_element_type3A_297 = arith.extui %or3A_296 : i1 to i32
        %cond3A_298 = arith.constant 0 : i32
        %cond3A_299 = arith.cmpi ne, %convert_element_type3A_297, %cond3A_298 : i32
        scf.if %cond3A_299 {
          "tpu.trace_start"() <{level = 10 : i32, message = "ep_wait_in"}> : () -> ()
          %add3A_442 = arith.addi %mul3A_0, %add3A_194 : i32
          %mul3A_443 = arith.constant 1 : i32
          %mul3A_444 = arith.muli %mul3A_443, %add3A_442 : i32
          %mul3A_445 = arith.constant 12544 : i32
          %mul3A_446 = arith.muli %mul3A_445, %add3A_196 : i32
          %eq3A_447 = arith.constant 7 : i32
          %eq3A_448 = arith.cmpi eq, %add3A_196, %eq3A_447 : i32
          %jit3A_449 = arith.constant 12288 : i32
          %jit3A_450 = arith.constant 12544 : i32
          %select_n3A_451 = arith.select %eq3A_448, %jit3A_449, %jit3A_450 : i32
          %multiple_of3A_452 = tpu.assume_multiple %select_n3A_451, 128 : i32
          %mul3A_453 = arith.constant 12544 : i32
          %mul3A_454 = arith.muli %add3A_196, %mul3A_453 : i32
          %rem3A_455 = arith.constant 2 : i32
          %rem3A_456 = arith.remui %scan3A_184, %rem3A_455 : i32
          %dma_wait3A_457 = tpu.memref_slice %run_scoped3A_1[%rem3A_456] : memref<2x!tpu.dma_semaphore, #tpu.memory_space<semaphore_mem>> -> memref<1x!tpu.dma_semaphore, #tpu.memory_space<semaphore_mem>>
          %dma_wait3A_458 = tpu.memref_squeeze %dma_wait3A_457 : memref<1x!tpu.dma_semaphore, #tpu.memory_space<semaphore_mem>> -> memref<!tpu.dma_semaphore, #tpu.memory_space<semaphore_mem>>
          %dma_wait3A_459 = arith.constant 0 : i32
          %dma_wait3A_460 = arith.constant 0 : i32
          %dma_wait3A_461 = arith.constant 0 : i32
          %dma_wait3A_462 = tpu.memref_slice %run_scoped3A[%rem3A_456, %dma_wait3A_459, %dma_wait3A_460, %dma_wait3A_461] <%multiple_of3A_452> : memref<2x1x32x12544xf32, #tpu.memory_space<vmem>> -> memref<1x1x32x?xf32, #tpu.memory_space<vmem>>
          %dma_wait3A_463 = tpu.memref_squeeze %dma_wait3A_462 : memref<1x1x32x?xf32, #tpu.memory_space<vmem>> -> memref<1x32x?xf32, #tpu.memory_space<vmem>>
          %dma_wait3A_464 = arith.constant 0 : i32
          %dma_wait3A_465 = tpu.memref_slice %arg1[%mul3A_444, %dma_wait3A_464, %mul3A_454] <%multiple_of3A_452> : memref<26x32x100002xf32, #tpu.memory_space<any>> -> memref<1x32x?xf32, #tpu.memory_space<any>>
          tpu.wait_dma2 semaphore(%dma_wait3A_458 : memref<!tpu.dma_semaphore, #tpu.memory_space<semaphore_mem>>) src(%dma_wait3A_465 : memref<1x32x?xf32, #tpu.memory_space<any>>) dst(%dma_wait3A_463 : memref<1x32x?xf32, #tpu.memory_space<vmem>>)
          "tpu.trace_stop"() : () -> ()
        } else {
        }
        %add3A_300 = arith.addi %mul3A_0, %add3A_194 : i32
        %mul3A_301 = arith.constant 8 : i32
        %mul3A_302 = arith.muli %add3A_300, %mul3A_301 : i32
        %add3A_303 = arith.addi %mul3A_302, %add3A_196 : i32
        %add3A_304 = arith.addi %mul3A_0, %add3A_213 : i32
        %mul3A_305 = arith.constant 8 : i32
        %mul3A_306 = arith.muli %add3A_304, %mul3A_305 : i32
        %add3A_307 = arith.addi %mul3A_306, %add3A_215 : i32
        %ne3A_308 = arith.cmpi ne, %add3A_303, %add3A_307 : i32
        %or3A_309 = arith.constant false
        %or3A_310 = arith.ori %or3A_309, %ne3A_308 : i1
        %or3A_311 = arith.constant false
        %or3A_312 = arith.ori %or3A_310, %or3A_311 : i1
        %or3A_313 = arith.ori %or3A_312, %eq3A_190 : i1
        %convert_element_type3A_314 = arith.extui %or3A_313 : i1 to i32
        %cond3A_315 = arith.constant 0 : i32
        %cond3A_316 = arith.cmpi ne, %convert_element_type3A_314, %cond3A_315 : i32
        scf.if %cond3A_316 {
        } else {
        }
        %rem3A_317 = arith.constant 2 : i32
        %rem3A_318 = arith.remui %scan3A_184, %rem3A_317 : i32
        %rem3A_319 = arith.constant 2 : i32
        %rem3A_320 = arith.remui %scan3A_185, %rem3A_319 : i32
        "tpu.trace_start"() <{level = 10 : i32, message = "ep_run_kernel"}> : () -> ()
        %get3A = arith.constant 0 : i32
        %get3A_321 = arith.constant 0 : i32
        %get3A_322 = arith.constant 0 : i32
        %get3A_323 = tpu.memref_slice %run_scoped3A[%rem3A_318, %get3A, %get3A_321, %get3A_322] : memref<2x1x32x12544xf32, #tpu.memory_space<vmem>> -> memref<1x1x32x12544xf32, #tpu.memory_space<vmem>>
        %get3A_324 = tpu.memref_squeeze %get3A_323 : memref<1x1x32x12544xf32, #tpu.memory_space<vmem>> -> memref<1x32x12544xf32, #tpu.memory_space<vmem>>
        %get3A_325 = arith.constant 0 : index
        %get3A_326 = arith.constant 0 : index
        %get3A_327 = arith.constant 0 : index
        %get3A_328 = vector.load %get3A_324[%get3A_325, %get3A_326, %get3A_327] : memref<1x32x12544xf32, #tpu.memory_space<vmem>>, vector<1x32x12544xf32>
        %get3A_329 = vector.shape_cast %get3A_328 : vector<1x32x12544xf32> to vector<32x12544xf32>
        %transpose3A = tpu.transpose %get3A_329, [1, 0] : vector<32x12544xf32> -> vector<12544x32xf32>
        %swap3A = arith.constant 0 : i32
        %swap3A_330 = arith.constant 0 : i32
        %swap3A_331 = tpu.memref_slice %run_scoped3A_2[%rem3A_320, %swap3A, %swap3A_330] : memref<2x12544x128xf32, #tpu.memory_space<vmem>> -> memref<1x12544x128xf32, #tpu.memory_space<vmem>>
        %swap3A_332 = tpu.memref_squeeze %swap3A_331 : memref<1x12544x128xf32, #tpu.memory_space<vmem>> -> memref<12544x128xf32, #tpu.memory_space<vmem>>
        %swap3A_333 = arith.constant 0 : index
        %swap3A_334 = arith.constant 0 : index
        %swap3A_335 = vector.load %swap3A_332[%swap3A_333, %swap3A_334] : memref<12544x128xf32, #tpu.memory_space<vmem>>, vector<12544x32xf32>
        tpu.vector_store %swap3A_332[%swap3A_333, %swap3A_334], %transpose3A {strides = array<i32>} : memref<12544x128xf32, #tpu.memory_space<vmem>>, vector<12544x32xf32>,
        "tpu.trace_stop"() : () -> ()
        %add3A_336 = arith.addi %mul3A_0, %add3A_194 : i32
        %add3A_337 = arith.addi %mul3A_0, %add3A_232 : i32
        %ne3A_338 = arith.cmpi ne, %add3A_336, %add3A_337 : i32
        %ne3A_339 = arith.cmpi ne, %add3A_196, %add3A_234 : i32
        %or3A_340 = arith.constant false
        %or3A_341 = arith.ori %or3A_340, %ne3A_338 : i1
        %or3A_342 = arith.constant false
        %or3A_343 = arith.ori %or3A_341, %or3A_342 : i1
        %or3A_344 = arith.ori %or3A_343, %ne3A_339 : i1
        %or3A_345 = arith.ori %or3A_344, %eq3A_192 : i1
        %convert_element_type3A_346 = arith.extui %or3A_345 : i1 to i32
        %cond3A_347 = arith.constant 0 : i32
        %cond3A_348 = arith.cmpi ne, %convert_element_type3A_346, %cond3A_347 : i32
        scf.if %cond3A_348 {
        } else {
        }
        %and3A_349 = arith.constant false
        %and3A_350 = arith.andi %or3A_345, %and3A_349 : i1
        %add3A_351 = arith.addi %mul3A_0, %add3A_194 : i32
        %mul3A_352 = arith.constant 8 : i32
        %mul3A_353 = arith.muli %add3A_351, %mul3A_352 : i32
        %add3A_354 = arith.addi %mul3A_353, %add3A_196 : i32
        %add3A_355 = arith.addi %mul3A_0, %add3A_232 : i32
        %mul3A_356 = arith.constant 8 : i32
        %mul3A_357 = arith.muli %add3A_355, %mul3A_356 : i32
        %add3A_358 = arith.addi %mul3A_357, %add3A_234 : i32
        %ne3A_359 = arith.cmpi ne, %add3A_354, %add3A_358 : i32
        %or3A_360 = arith.constant false
        %or3A_361 = arith.ori %or3A_360, %ne3A_359 : i1
        %or3A_362 = arith.constant false
        %or3A_363 = arith.ori %or3A_361, %or3A_362 : i1
        %or3A_364 = arith.ori %or3A_363, %eq3A_192 : i1
        %convert_element_type3A_365 = arith.extui %or3A_364 : i1 to i32
        %cond3A_366 = arith.constant 0 : i32
        %cond3A_367 = arith.cmpi ne, %convert_element_type3A_365, %cond3A_366 : i32
        scf.if %cond3A_367 {
          "tpu.trace_start"() <{level = 10 : i32, message = "ep_copy_out"}> : () -> ()
          %rem3A_442 = arith.constant 2 : i32
          %rem3A_443 = arith.remui %scan3A_185, %rem3A_442 : i32
          %add3A_444 = arith.addi %mul3A_0, %add3A_194 : i32
          %mul3A_445 = arith.constant 8 : i32
          %mul3A_446 = arith.muli %add3A_444, %mul3A_445 : i32
          %add3A_447 = arith.addi %mul3A_446, %add3A_196 : i32
          %mul3A_448 = arith.constant 12544 : i32
          %mul3A_449 = arith.muli %mul3A_448, %add3A_447 : i32
          %dma_start3A_450 = tpu.memref_slice %run_scoped3A_3[%rem3A_443] : memref<2x!tpu.dma_semaphore, #tpu.memory_space<semaphore_mem>> -> memref<1x!tpu.dma_semaphore, #tpu.memory_space<semaphore_mem>>
          %dma_start3A_451 = tpu.memref_squeeze %dma_start3A_450 : memref<1x!tpu.dma_semaphore, #tpu.memory_space<semaphore_mem>> -> memref<!tpu.dma_semaphore, #tpu.memory_space<semaphore_mem>>
          %dma_start3A_452 = arith.constant 0 : i32
          %dma_start3A_453 = tpu.memref_slice %arg2[%mul3A_449, %dma_start3A_452] : memref<2609152x128xf32, #tpu.memory_space<any>> -> memref<12544x128xf32, #tpu.memory_space<any>>
          %dma_start3A_454 = arith.constant 0 : i32
          %dma_start3A_455 = arith.constant 0 : i32
          %dma_start3A_456 = tpu.memref_slice %run_scoped3A_2[%rem3A_443, %dma_start3A_454, %dma_start3A_455] : memref<2x12544x128xf32, #tpu.memory_space<vmem>> -> memref<1x12544x128xf32, #tpu.memory_space<vmem>>
          %dma_start3A_457 = tpu.memref_squeeze %dma_start3A_456 : memref<1x12544x128xf32, #tpu.memory_space<vmem>> -> memref<12544x128xf32, #tpu.memory_space<vmem>>
          tpu.enqueue_dma source(%dma_start3A_457 : memref<12544x128xf32, #tpu.memory_space<vmem>>) target(%dma_start3A_453 : memref<12544x128xf32, #tpu.memory_space<any>>) target_semaphore(%dma_start3A_451 : memref<!tpu.dma_semaphore, #tpu.memory_space<semaphore_mem>>)
          "tpu.trace_stop"() : () -> ()
        } else {
        }
        %and3A_368 = arith.constant true
        %and3A_369 = arith.andi %or3A_364, %and3A_368 : i1
        %add3A_370 = arith.constant 1 : i32
        %add3A_371 = arith.addi %scan3A_185, %add3A_370 : i32
        %select_n3A_372 = arith.select %and3A_369, %add3A_371, %scan3A_185 : i32
        %add3A_373 = arith.addi %mul3A_0, %add3A_194 : i32
        %add3A_374 = arith.addi %mul3A_0, %add3A_213 : i32
        %ne3A_375 = arith.cmpi ne, %add3A_373, %add3A_374 : i32
        %ne3A_376 = arith.cmpi ne, %add3A_196, %add3A_215 : i32
        %or3A_377 = arith.constant false
        %or3A_378 = arith.ori %or3A_377, %ne3A_375 : i1
        %or3A_379 = arith.constant false
        %or3A_380 = arith.ori %or3A_378, %or3A_379 : i1
        %or3A_381 = arith.ori %or3A_380, %ne3A_376 : i1
        %not3A_382 = arith.constant true
        %not3A_383 = arith.xori %eq3A_190, %not3A_382 : i1
        %and3A_384 = arith.andi %or3A_381, %not3A_383 : i1
        %convert_element_type3A_385 = arith.extui %and3A_384 : i1 to i32
        %cond3A_386 = arith.constant 0 : i32
        %cond3A_387 = arith.cmpi ne, %convert_element_type3A_385, %cond3A_386 : i32
        scf.if %cond3A_387 {
        } else {
        }
        %and3A_388 = arith.constant false
        %and3A_389 = arith.andi %and3A_384, %and3A_388 : i1
        %add3A_390 = arith.addi %mul3A_0, %add3A_194 : i32
        %mul3A_391 = arith.constant 8 : i32
        %mul3A_392 = arith.muli %add3A_390, %mul3A_391 : i32
        %add3A_393 = arith.addi %mul3A_392, %add3A_196 : i32
        %add3A_394 = arith.addi %mul3A_0, %add3A_213 : i32
        %mul3A_395 = arith.constant 8 : i32
        %mul3A_396 = arith.muli %add3A_394, %mul3A_395 : i32
        %add3A_397 = arith.addi %mul3A_396, %add3A_215 : i32
        %ne3A_398 = arith.cmpi ne, %add3A_393, %add3A_397 : i32
        %or3A_399 = arith.constant false
        %or3A_400 = arith.ori %or3A_399, %ne3A_398 : i1
        %or3A_401 = arith.constant false
        %or3A_402 = arith.ori %or3A_400, %or3A_401 : i1
        %not3A_403 = arith.constant true
        %not3A_404 = arith.xori %eq3A_190, %not3A_403 : i1
        %and3A_405 = arith.andi %or3A_402, %not3A_404 : i1
        %convert_element_type3A_406 = arith.extui %and3A_405 : i1 to i32
        %cond3A_407 = arith.constant 0 : i32
        %cond3A_408 = arith.cmpi ne, %convert_element_type3A_406, %cond3A_407 : i32
        scf.if %cond3A_408 {
          "tpu.trace_start"() <{level = 10 : i32, message = "ep_wait_out"}> : () -> ()
          %rem3A_442 = arith.constant 2 : i32
          %rem3A_443 = arith.remui %scan3A_186, %rem3A_442 : i32
          %add3A_444 = arith.addi %mul3A_0, %add3A_213 : i32
          %mul3A_445 = arith.constant 8 : i32
          %mul3A_446 = arith.muli %add3A_444, %mul3A_445 : i32
          %add3A_447 = arith.addi %mul3A_446, %add3A_215 : i32
          %mul3A_448 = arith.constant 12544 : i32
          %mul3A_449 = arith.muli %mul3A_448, %add3A_447 : i32
          %dma_wait3A_450 = tpu.memref_slice %run_scoped3A_3[%rem3A_443] : memref<2x!tpu.dma_semaphore, #tpu.memory_space<semaphore_mem>> -> memref<1x!tpu.dma_semaphore, #tpu.memory_space<semaphore_mem>>
          %dma_wait3A_451 = tpu.memref_squeeze %dma_wait3A_450 : memref<1x!tpu.dma_semaphore, #tpu.memory_space<semaphore_mem>> -> memref<!tpu.dma_semaphore, #tpu.memory_space<semaphore_mem>>
          %dma_wait3A_452 = arith.constant 0 : i32
          %dma_wait3A_453 = tpu.memref_slice %arg2[%mul3A_449, %dma_wait3A_452] : memref<2609152x128xf32, #tpu.memory_space<any>> -> memref<12544x128xf32, #tpu.memory_space<any>>
          %dma_wait3A_454 = arith.constant 0 : i32
          %dma_wait3A_455 = arith.constant 0 : i32
          %dma_wait3A_456 = tpu.memref_slice %run_scoped3A_2[%rem3A_443, %dma_wait3A_454, %dma_wait3A_455] : memref<2x12544x128xf32, #tpu.memory_space<vmem>> -> memref<1x12544x128xf32, #tpu.memory_space<vmem>>
          %dma_wait3A_457 = tpu.memref_squeeze %dma_wait3A_456 : memref<1x12544x128xf32, #tpu.memory_space<vmem>> -> memref<12544x128xf32, #tpu.memory_space<vmem>>
          tpu.wait_dma2 semaphore(%dma_wait3A_451 : memref<!tpu.dma_semaphore, #tpu.memory_space<semaphore_mem>>) src(%dma_wait3A_457 : memref<12544x128xf32, #tpu.memory_space<vmem>>) dst(%dma_wait3A_453 : memref<12544x128xf32, #tpu.memory_space<any>>)
          "tpu.trace_stop"() : () -> ()
        } else {
        }
        %and3A_409 = arith.constant true
        %and3A_410 = arith.andi %and3A_405, %and3A_409 : i1
        %add3A_411 = arith.constant 1 : i32
        %add3A_412 = arith.addi %scan3A_186, %add3A_411 : i32
        %select_n3A_413 = arith.select %and3A_410, %add3A_412, %scan3A_186 : i32
        %add3A_414 = arith.addi %mul3A_0, %add3A_194 : i32
        %add3A_415 = arith.addi %mul3A_0, %add3A_232 : i32
        %ne3A_416 = arith.cmpi ne, %add3A_414, %add3A_415 : i32
        %ne3A_417 = arith.cmpi ne, %add3A_196, %add3A_234 : i32
        %or3A_418 = arith.constant false
        %or3A_419 = arith.ori %or3A_418, %ne3A_416 : i1
        %or3A_420 = arith.constant false
        %or3A_421 = arith.ori %or3A_419, %or3A_420 : i1
        %or3A_422 = arith.ori %or3A_421, %ne3A_417 : i1
        %or3A_423 = arith.ori %or3A_422, %eq3A_192 : i1
        %add3A_424 = arith.constant 1 : i32
        %add3A_425 = arith.addi %scan3A_184, %add3A_424 : i32
        %select_n3A_426 = arith.select %or3A_423, %add3A_425, %scan3A_184 : i32
        %add3A_427 = arith.constant 1 : i32
        %add3A_428 = arith.addi %scan3A_188, %add3A_427 : i32
        %select_n3A_429 = arith.constant true
        %select_n3A_430 = arith.select %select_n3A_429, %add3A_428, %scan3A_188 : i32
        %eq3A_431 = arith.constant 8 : i32
        %eq3A_432 = arith.cmpi eq, %select_n3A_430, %eq3A_431 : i32
        %select_n3A_433 = arith.constant 0 : i32
        %select_n3A_434 = arith.select %eq3A_432, %select_n3A_433, %select_n3A_430 : i32
        %add3A_435 = arith.constant 1 : i32
        %add3A_436 = arith.addi %scan3A_187, %add3A_435 : i32
        %select_n3A_437 = arith.select %eq3A_432, %add3A_436, %scan3A_187 : i32
        %eq3A_438 = arith.constant 13 : i32
        %eq3A_439 = arith.cmpi eq, %select_n3A_437, %eq3A_438 : i32
        %select_n3A_440 = arith.constant 0 : i32
        %select_n3A_441 = arith.select %eq3A_439, %select_n3A_440, %select_n3A_437 : i32
        scf.yield %select_n3A_268, %select_n3A_426, %select_n3A_372, %select_n3A_413, %select_n3A_441, %select_n3A_434 : i32, i32, i32, i32, i32, i32
      }
      %scan3A_91 = arith.constant 104 : i32
      %sub3A = arith.constant 1 : i32
      %sub3A_92 = arith.subi %scan3A_90#5, %sub3A : i32
      %select_n3A_93 = arith.constant true
      %select_n3A_94 = arith.select %select_n3A_93, %sub3A_92, %scan3A_90#5 : i32
      %eq3A_95 = arith.constant -1 : i32
      %eq3A_96 = arith.cmpi eq, %select_n3A_94, %eq3A_95 : i32
      %select_n3A_97 = arith.constant 7 : i32
      %select_n3A_98 = arith.select %eq3A_96, %select_n3A_97, %select_n3A_94 : i32
      %sub3A_99 = arith.constant 1 : i32
      %sub3A_100 = arith.subi %scan3A_90#4, %sub3A_99 : i32
      %select_n3A_101 = arith.select %eq3A_96, %sub3A_100, %scan3A_90#4 : i32
      %eq3A_102 = arith.constant -1 : i32
      %eq3A_103 = arith.cmpi eq, %select_n3A_101, %eq3A_102 : i32
      %select_n3A_104 = arith.constant 12 : i32
      %select_n3A_105 = arith.select %eq3A_103, %select_n3A_104, %select_n3A_101 : i32
      %add3A_106 = arith.constant 0 : i32
      %add3A_107 = arith.addi %select_n3A_105, %add3A_106 : i32
      %add3A_108 = arith.constant 0 : i32
      %add3A_109 = arith.addi %select_n3A_98, %add3A_108 : i32
      %sub3A_110 = arith.constant 1 : i32
      %sub3A_111 = arith.subi %select_n3A_98, %sub3A_110 : i32
      %select_n3A_112 = arith.constant true
      %select_n3A_113 = arith.select %select_n3A_112, %sub3A_111, %select_n3A_98 : i32
      %eq3A_114 = arith.constant -1 : i32
      %eq3A_115 = arith.cmpi eq, %select_n3A_113, %eq3A_114 : i32
      %select_n3A_116 = arith.constant 7 : i32
      %select_n3A_117 = arith.select %eq3A_115, %select_n3A_116, %select_n3A_113 : i32
      %sub3A_118 = arith.constant 1 : i32
      %sub3A_119 = arith.subi %select_n3A_105, %sub3A_118 : i32
      %select_n3A_120 = arith.select %eq3A_115, %sub3A_119, %select_n3A_105 : i32
      %eq3A_121 = arith.constant -1 : i32
      %eq3A_122 = arith.cmpi eq, %select_n3A_120, %eq3A_121 : i32
      %select_n3A_123 = arith.constant 12 : i32
      %select_n3A_124 = arith.select %eq3A_122, %select_n3A_123, %select_n3A_120 : i32
      %add3A_125 = arith.constant 0 : i32
      %add3A_126 = arith.addi %select_n3A_124, %add3A_125 : i32
      %add3A_127 = arith.constant 0 : i32
      %add3A_128 = arith.addi %select_n3A_117, %add3A_127 : i32
      %add3A_129 = arith.constant 1 : i32
      %add3A_130 = arith.addi %select_n3A_98, %add3A_129 : i32
      %select_n3A_131 = arith.constant true
      %select_n3A_132 = arith.select %select_n3A_131, %add3A_130, %select_n3A_98 : i32
      %eq3A_133 = arith.constant 8 : i32
      %eq3A_134 = arith.cmpi eq, %select_n3A_132, %eq3A_133 : i32
      %select_n3A_135 = arith.constant 0 : i32
      %select_n3A_136 = arith.select %eq3A_134, %select_n3A_135, %select_n3A_132 : i32
      %add3A_137 = arith.constant 1 : i32
      %add3A_138 = arith.addi %select_n3A_105, %add3A_137 : i32
      %select_n3A_139 = arith.select %eq3A_134, %add3A_138, %select_n3A_105 : i32
      %eq3A_140 = arith.constant 13 : i32
      %eq3A_141 = arith.cmpi eq, %select_n3A_139, %eq3A_140 : i32
      %select_n3A_142 = arith.constant 0 : i32
      %select_n3A_143 = arith.select %eq3A_141, %select_n3A_142, %select_n3A_139 : i32
      %add3A_144 = arith.constant 0 : i32
      %add3A_145 = arith.addi %select_n3A_143, %add3A_144 : i32
      %add3A_146 = arith.constant 0 : i32
      %add3A_147 = arith.addi %select_n3A_136, %add3A_146 : i32
      %add3A_148 = arith.constant 1 : i32
      %add3A_149 = arith.addi %select_n3A_136, %add3A_148 : i32
      %select_n3A_150 = arith.constant true
      %select_n3A_151 = arith.select %select_n3A_150, %add3A_149, %select_n3A_136 : i32
      %eq3A_152 = arith.constant 8 : i32
      %eq3A_153 = arith.cmpi eq, %select_n3A_151, %eq3A_152 : i32
      %select_n3A_154 = arith.constant 0 : i32
      %select_n3A_155 = arith.select %eq3A_153, %select_n3A_154, %select_n3A_151 : i32
      %add3A_156 = arith.constant 1 : i32
      %add3A_157 = arith.addi %select_n3A_143, %add3A_156 : i32
      %select_n3A_158 = arith.select %eq3A_153, %add3A_157, %select_n3A_143 : i32
      %eq3A_159 = arith.constant 13 : i32
      %eq3A_160 = arith.cmpi eq, %select_n3A_158, %eq3A_159 : i32
      %select_n3A_161 = arith.constant 0 : i32
      %select_n3A_162 = arith.select %eq3A_160, %select_n3A_161, %select_n3A_158 : i32
      %add3A_163 = arith.constant 0 : i32
      %add3A_164 = arith.addi %select_n3A_162, %add3A_163 : i32
      %add3A_165 = arith.constant 0 : i32
      %add3A_166 = arith.addi %select_n3A_155, %add3A_165 : i32
      "tpu.trace_start"() <{level = 10 : i32, message = "ep_finalize"}> : () -> ()
      %rem3A_167 = arith.constant 2 : i32
      %rem3A_168 = arith.remui %scan3A_90#3, %rem3A_167 : i32
      %add3A_169 = arith.addi %mul3A_0, %add3A_107 : i32
      %mul3A_170 = arith.constant 8 : i32
      %mul3A_171 = arith.muli %add3A_169, %mul3A_170 : i32
      %add3A_172 = arith.addi %mul3A_171, %add3A_109 : i32
      %mul3A_173 = arith.constant 12544 : i32
      %mul3A_174 = arith.muli %mul3A_173, %add3A_172 : i32
      %dma_wait3A = tpu.memref_slice %run_scoped3A_3[%rem3A_168] : memref<2x!tpu.dma_semaphore, #tpu.memory_space<semaphore_mem>> -> memref<1x!tpu.dma_semaphore, #tpu.memory_space<semaphore_mem>>
      %dma_wait3A_175 = tpu.memref_squeeze %dma_wait3A : memref<1x!tpu.dma_semaphore, #tpu.memory_space<semaphore_mem>> -> memref<!tpu.dma_semaphore, #tpu.memory_space<semaphore_mem>>
      %dma_wait3A_176 = arith.constant 0 : i32
      %dma_wait3A_177 = tpu.memref_slice %arg2[%mul3A_174, %dma_wait3A_176] : memref<2609152x128xf32, #tpu.memory_space<any>> -> memref<12544x128xf32, #tpu.memory_space<any>>
      %dma_wait3A_178 = arith.constant 0 : i32
      %dma_wait3A_179 = arith.constant 0 : i32
      %dma_wait3A_180 = tpu.memref_slice %run_scoped3A_2[%rem3A_168, %dma_wait3A_178, %dma_wait3A_179] : memref<2x12544x128xf32, #tpu.memory_space<vmem>> -> memref<1x12544x128xf32, #tpu.memory_space<vmem>>
      %dma_wait3A_181 = tpu.memref_squeeze %dma_wait3A_180 : memref<1x12544x128xf32, #tpu.memory_space<vmem>> -> memref<12544x128xf32, #tpu.memory_space<vmem>>
      tpu.wait_dma2 semaphore(%dma_wait3A_175 : memref<!tpu.dma_semaphore, #tpu.memory_space<semaphore_mem>>) src(%dma_wait3A_181 : memref<12544x128xf32, #tpu.memory_space<vmem>>) dst(%dma_wait3A_177 : memref<12544x128xf32, #tpu.memory_space<any>>)
      "tpu.trace_stop"() : () -> ()
      tpu.yield
    }) : () -> ()
    return
  }
}

</mosaic_0001>

<sc_bundles>
// kernel: kernel.4.cloned.1.call-start
scs
__scs_entry_jumppad:
0x0: {  	(pc) =	sbr.rel $0x88, $3  }
0x1: {  	(tag) =	ssettag $0x0;
	lr =	simm.s32 $0x1  }
0x2: {  	[smem:$0x3F9F] =	sst lr;
	_ =	strace $0xD0000000  }
0x3: {  	_ = 	snop  }
0x4: {  	_ = 	snop  }
0x5: {  	_ = 	snop  }
0x6: {  	_ = 	snop  }
0x7: {  	_ = 	snop  }
__scs_overlays_trampoline_lowered:
0x8: {  	[smem:$0x3FAE] =	sst s0  }
0x9: {  	[smem:$0x3FAF] =	sst s1  }
0xa: {  	[smem:$0x3FB0] =	sst s2  }
0xb: {  	[smem:$0x3FB1] =	sst s3  }
0xc: {  	[smem:$0x3FB2] =	sst s4  }
0xd: {  	[smem:$0x3FB3] =	sst s5  }
0xe: {  	[smem:$0x3FB4] =	sst s6  }
0xf: {  	[smem:$0x3FB5] =	sst s7  }
0x10: {  	[smem:$0x3FB6] =	sst s8  }
0x11: {  	[smem:$0x3FB7] =	sst s9;
	s0 =	simm.s32 @!p0 $0x0  }
0x12: {  	s1 =	sld [smem:$0x3F9D];
	s0 =	simm.s32 @p0 $0x1  }
0x13: {  	[smem:$0x3FB8] =	sst s0;
	s0 =	simm.s32 @!p1 $0x0  }
0x14: {  	s2 =	sld [smem:$0x3F9C];
	s0 =	simm.s32 @p1 $0x1  }
0x15: {  	[smem:$0x3FB9] =	sst s0;
	s0 =	simm.s32 @!p2 $0x0  }
0x16: {  	s3 =	sld [smem:$0x3FDB];
	s0 =	simm.s32 @p2 $0x1  }
0x17: {  	s4 =	simm.s32 $0x1BF5;
	[smem:$0x3FBB] =	sst s0  }
0x18: {  	s0 =	sld [smem:$0x3F9E];
	_ =	swait.ge [sflag:s4], $0x0  }
0x19: {  	s7 =	sld [smem:$0x3F9F]  }
0x1a: {  	s8 =	sadd.s32 $0xFFFFE003, lr  }
0x1b: {  	s9 =	sadd.s32 $0xFFFFFEF7, lr;
	s5 =	simm.s32 $0xFFFFFFFF;
	p2 =	slt.u32 s8, $0xFFFFF086  }
0x1c: {  	p1 =	slt.u32 s9, $0xF7A;
	s5 =	simm.s32 @!p2 $0x0  }
0x1d: {  	s5 =	simm.s32 @p1 $0x1;
	p0 =	seq.s32 s7, s2  }
0x1e: {  	s7 =	smul.u32 @!p0 $0xF7A, s2;
	p2 =	seq.s32 @!p0 s5, $0x0  }
0x1f: {  	s9 =	smul.u32 $0xF7A, s1;
	s8 =	simm.s32 @!p0 $0x1BF5;
	p2 =	por !p2, p0  }
0x20: {  	[sflag:s8] =	ssyncset.s32 @!p0 $0xFFFFF086;
	s6 =	sadd.s32 @!p0 s3, s7;
	s7 =	simm.s32 @!p0 $0x108  }
0x21: {  	s3 =	sadd.s32 s3, s9;
	s6 =	sadd.s32 @!p0 $0x88, s6;
	s7 =	simm.s32 @p2 $0x1082  }
0x22: {  	[simem:s7], [sflag:s8] =	dma.local @!p0 [hbm:s6], $0xF7A  }
0x23: {  	s9 =	sor.u32 $0xD0000000, s2;
	s6 =	simm.s32 $0x108;
	_ =	swait.ge @!p0 [sflag:s8], $0x0  }
0x24: {  	s3 =	sadd.s32 $0x88, s3;
	s6 =	simm.s32 @!p1 $0x1082;
	[sflag:s4] =	ssyncset.s32 $0xFFFFF086  }
0x25: {  	[simem:s6], [sflag:s4] =	dma.local [hbm:s3], $0xF7A  }
0x26: {  	[smem:$0x3F9F] =	sst s1;
	(tag) =	ssettag s2;
	_ =	strace s9  }
0x27: {  	s1 =	sld [smem:$0x3FAF]  }
0x28: {  	s2 =	sld [smem:$0x3FB0]  }
0x29: {  	s4 =	sld [smem:$0x3FB2]  }
0x2a: {  	p0 =	seq.s32 s5, $0x0;
	s5 =	sld [smem:$0x3FB3]  }
0x2b: {  	s6 =	sld [smem:$0x3FB4]  }
0x2c: {  	s7 =	sld [smem:$0x3FB5]  }
0x2d: {  	s3 =	simm.s32 $0x108;
	s8 =	sld [smem:$0x3FB6]  }
0x2e: {  	s3 =	simm.s32 @!p0 $0x1082;
	s9 =	sld [smem:$0x3FB7]  }
0x2f: {  	lr =	sadd.s32 s0, s3;
	s0 =	sld [smem:$0x3FAE]  }
0x30: {  	s3 =	sld [smem:$0x3FB1]  }
0x31: {  	[smem:$0x3FBA] =	sst s10  }
0x32: {  	s10 =	sld [smem:$0x3FB8];
	_ =	sdelay $0x3  }
0x33: {  	p0 =	seq.s32 s10, $0x1;
	s10 =	sld [smem:$0x3FBA];
	_ =	sdelay $0x3  }
0x34: {  	[smem:$0x3FBA] =	sst s10  }
0x35: {  	s10 =	sld [smem:$0x3FB9];
	_ =	sdelay $0x3  }
0x36: {  	p1 =	seq.s32 s10, $0x1;
	s10 =	sld [smem:$0x3FBA];
	_ =	sdelay $0x3  }
0x37: {  	[smem:$0x3FBA] =	sst s10  }
0x38: {  	s10 =	sld [smem:$0x3FBB]  }
0x39: {  	_ = 	snop;
	(pc) =	sbr.ind lr, $3  }
0x3a: {  	_ = 	snop  }
0x3b: {  	_ = 	snop  }
0x3c: {  	p2 =	seq.s32 s10, $0x1;
	s10 =	sld [smem:$0x3FBA]  }
0x3d: {  	_ =	shalt  }
0x3e: {  	_ =	shalt  }
0x3f: {  	_ =	shalt  }
0x40: {  	_ =	shalt  }
0x41: {  	_ =	shalt  }
0x42: {  	_ =	shalt  }
0x43: {  	_ =	shalt  }
0x44: {  	_ =	shalt  }
0x45: {  	_ =	shalt  }
0x46: {  	_ =	shalt  }
0x47: {  	_ =	shalt  }
0x48: {  	_ =	shalt  }
0x49: {  	_ =	shalt  }
0x4a: {  	_ =	shalt  }
0x4b: {  	_ =	shalt  }
0x4c: {  	_ =	shalt  }
0x4d: {  	_ =	shalt  }
0x4e: {  	_ =	shalt  }
0x4f: {  	_ =	shalt  }
0x50: {  	_ =	shalt  }
0x51: {  	_ =	shalt  }
0x52: {  	_ =	shalt  }
0x53: {  	_ =	shalt  }
0x54: {  	_ =	shalt  }
0x55: {  	_ =	shalt  }
0x56: {  	_ =	shalt  }
0x57: {  	_ =	shalt  }
0x58: {  	_ =	shalt  }
0x59: {  	_ =	shalt  }
0x5a: {  	_ =	shalt  }
0x5b: {  	_ =	shalt  }
0x5c: {  	_ =	shalt  }
0x5d: {  	_ =	shalt  }
0x5e: {  	_ =	shalt  }
0x5f: {  	_ =	shalt  }
0x60: {  	_ =	shalt  }
0x61: {  	_ =	shalt  }
0x62: {  	_ =	shalt  }
0x63: {  	_ =	shalt  }
0x64: {  	_ =	shalt  }
0x65: {  	_ =	shalt  }
0x66: {  	_ =	shalt  }
0x67: {  	_ =	shalt  }
0x68: {  	_ =	shalt  }
0x69: {  	_ =	shalt  }
0x6a: {  	_ =	shalt  }
0x6b: {  	_ =	shalt  }
0x6c: {  	_ =	shalt  }
0x6d: {  	_ =	shalt  }
0x6e: {  	_ =	shalt  }
0x6f: {  	_ =	shalt  }
0x70: {  	_ =	shalt  }
0x71: {  	_ =	shalt  }
0x72: {  	_ =	shalt  }
0x73: {  	_ =	shalt  }
0x74: {  	_ =	shalt  }
0x75: {  	_ =	shalt  }
0x76: {  	_ =	shalt  }
0x77: {  	_ =	shalt  }
0x78: {  	_ =	shalt  }
0x79: {  	_ =	shalt  }
0x7a: {  	_ =	shalt  }
0x7b: {  	_ =	shalt  }
0x7c: {  	_ =	shalt  }
0x7d: {  	_ =	shalt  }
0x7e: {  	_ =	shalt  }
0x7f: {  	_ =	shalt  }
0x80: {  	_ =	shalt  }
0x81: {  	_ =	shalt  }
0x82: {  	_ =	shalt  }
0x83: {  	_ =	shalt  }
0x84: {  	_ =	shalt  }
0x85: {  	_ =	shalt  }
0x86: {  	_ =	shalt  }
0x87: {  	_ =	shalt  }
.Lfunc_end0:
.L_simem_size_0:
called_computation_lowered:
.L_overlay_start_0:
0x88: {  	s2 =	sld [smem:$0x3FD9]  }
0x89: {  	s3 =	sld [smem:$0x3FFE];
	_ =	sdelay $0x1  }
0x8a: {  	s1 =	srdreg.scid  }
0x8b: {  	s0 =	sand.u32 $0x1, s1  }
0x8c: {  	s17 =	sshll.u32 s0, $0xA;
	s2 =	sadd.s32 s3, s2  }
0x8d: {  	s2 =	sadd.s32 s2, s17  }
0x8e: {  	[smem:$0x3FC6] =	sst s2  }
0x8f: {  	_ = 	snop  }
0x90: {  	s2 =	sld [smem:$0x3FC9];
	(tm) =	ssettm $0x1  }
0x91: {  	s18 =	sld [smem:$0x3FFB];
	_ =	sdelay $0x3  }
0x92: {  	_ =	strace s18  }
0x93: {  	s3 =	sld [smem:$0x3FFC];
	_ =	sdelay $0x3  }
0x94: {  	_ =	strace s3  }
0x95: {  	s3 =	sld [smem:$0x3FFD];
	_ =	sdelay $0x3  }
0x96: {  	_ =	strace s3  }
0x97: {  	_ =	strace $0x8FFFFFFF  }
0x98: {  	s19 =	sld [smem:$0x3FDB];
	_ =	sdelay $0x1  }
0x99: {  	s4 =	simm.s32 $_scs_section_size  }
0x9a: {  	s5 =	simm.s32 $_size__tile_overlayer_lowered;
	s6 =	simm.s32 $_tile_overlayer_lowered  }
0x9b: {  	s22 =	simm.s32 $0x1BFF;
	s21 =	sshll.u32 s6, $0x1;
	s3 =	sadd.s32 s4, s19  }
0x9c: {  	s7 =	simm.s32 $0x0;
	s20 =	sshll.u32 s5, $0x1;
	s5 =	sadd.s32 s21, s3  }
0x9d: {  	[timem:s7], [sflag:s22] =	dma.local [hbm:s5], s20  }
0x9e: {  	_ =	swait.ge [sflag:s22], s20  }
0x9f: {  	s4 =	ssub.s32 $0x0, s20;
	[sflag:s22] =	ssyncset.done $0x0  }
0xa0: {  	[sflag:s22] =	ssyncadd.s32 s4;
	_ =	sdelay $0x1  }
0xa1: {  	s23 =	simm.s32 $0x1B8B  }
0xa2: {  	_ =	swait.ge [sflag:s23], $0x1  }
0xa3: {  	[sflag:s23] =	ssyncset.done $0x0  }
0xa4: {  	s25 =	simm.s32 $0x1B8E;
	s24 =	sld [smem:$0x3FFE];
	[sflag:s23] =	ssyncadd.s32 $0xFFFFFFFF  }
0xa5: {  	s26 =	simm.s32 $execute0_lowered;
	[smem:$0x3FD2] =	sst s25  }
0xa6: {  	s5 =	sshll.u32 s26, $0x1;
	_ =	strace $0x80000046;
	[dreg:$0x1] =	wrdreg $0xFFFFFFFF  }
0xa7: {  	s28 =	simm.s32 $_size_execute0_lowered;
	s3 =	sadd.s32 s3, s5;
	[dreg:$0x0] =	wrdreg $0x0  }
0xa8: {  	s5 =	sshll.u32 s28, $0x1;
	[dreg:$0x2] =	wrdreg s3  }
0xa9: {  	[dreg:$0x3] =	wrdreg s5  }
0xaa: {  	[dreg:$0x4] =	wrdreg $0xC0  }
0xab: {  	_ =	task [dreg:s7], $0x5FFFF  }
0xac: {  	[dreg:$0x1] =	wrdreg $0xFFFFFFFF  }
0xad: {  	[dreg:$0x0] =	wrdreg $0x60  }
0xae: {  	[dreg:$0x2] =	wrdreg s24  }
0xaf: {  	[dreg:$0x3] =	wrdreg s2  }
0xb0: {  	[dreg:$0x4] =	wrdreg $0x38000  }
0xb1: {  	[dreg:$0x5] =	wrdreg $0x9  }
0xb2: {  	_ =	task.clear_ibuf [dreg:s7], $0x6FFFF;
	_ =	strace $0x90000046  }
0xb3: {  	s29 =	simm.s32 $0x9;
	_ =	strace $0x80000048  }
0xb4: {  	_ =	swait.ge [sflag:s29], $0x1  }
0xb5: {  	[sflag:s29] =	ssyncadd.s32 $0xFFFFFFFF  }
0xb6: {  	_ =	strace $0x90000048  }
0xb7: {  	_ =	sfence  }
0xb8: {  	s30 =	sld [smem:$0x0];
	_ =	sdelay $0x2  }
0xb9: {  	s31 =	sshll.u32 s1, $0xD;
	s1 =	sshrl.u32 s1, $0x2  }
0xba: {  	s3 =	sand.u32 $0x4000, s31;
	s1 =	sadd.s32 s1, s30  }
0xbb: {  	s0 =	sor.u32 s3, s0;
	s1 =	sshll.u32 s1, $0x11  }
0xbc: {  	s0 =	sor.u32 s1, s0  }
0xbd: {  	s0 =	sadd.s32 $0x8F2B, s0  }
0xbe: {  	[sflag:s0] =	ssyncadd.remote.s32 $0x1  }
0xbf: {  	_ =	sfence.sel $0xFFFF  }
0xc0: {  	[dreg:$0x0] =	wrdreg $0xFFFFFFFF;
	(pc) =	sbr.abs _section_cstart, $3  }
0xc1: {  	[dreg:$0x1] =	wrdreg $0xFFFFFFFF  }
0xc2: {  	_ =	task.clear_ibuf [dreg:s7], $0x2FFFF;
	_ =	strace $0x9FFFFFFF  }
0xc3: {  	(tm) =	ssettm $0x7FFFFFFF  }
tec
execute0_lowered:
.L_overlay_start_1:
0x0: {  	(tag) =	ssettag $0x1  }
0x1: {  	s0 =	rddreg [dreg:$0x0]  }
0x2: {  	s1 =	rddreg [dreg:$0x1]  }
0x3: {  	s2 =	rddreg [dreg:$0x2]  }
0x4: {  	s4 =	srdreg.scid;
	s9 =	stileid.u32  }
0x5: {  	s3 =	simm.s32 $0x0;
	s4 =	sand.u32 $0x1, s4;
	s12 =	sshll.u32 s9, $0x10  }
0x6: {  	[smem:$0x7FF] =	sst s3;
	s5 =	sshll.u32 s9, $0xA;
	s10 =	sadd.s32 s12, s2  }
0x7: {  	s6 =	sshll.u32 s4, $0x9;
	_ =	strace $0x80000047;
	s13 =	sadd.s32 $0x4000, s10  }
0x8: {  	s11 =	ssub.s32 $0x2, s4;
	s14 =	sadd.s32 $0x6000, s10;
	[dreg:$0x5] =	wrdreg s13  }
0x9: {  	s5 =	sor.u32 s6, s5;
	s15 =	sadd.s32 $0x8000, s10;
	[dreg:$0x6] =	wrdreg s14  }
0xa: {  	s8 =	sshrl.u32 s11, $0x1;
	s16 =	sadd.s32 $0xA000, s10;
	[dreg:$0x7] =	wrdreg s15  }
0xb: {  	s17 =	sadd.s32 $0xC000, s10;
	s18 =	sadd.s32 $0xE000, s10;
	[dreg:$0x8] =	wrdreg s16  }
0xc: {  	s7 =	sshll.u32 s5, $0x4;
	s11 =	ssub.s32 s11, s8;
	[dreg:$0x9] =	wrdreg s17  }
0xd: {  	s5 =	sadd.s32 s1, s5;
	s1 =	sadd.s32 $0x2000, s10;
	[dreg:$0xa] =	wrdreg s18  }
0xe: {  	[dreg:$0x4] =	wrdreg s1;
	s19 =	smax.u32 s11, $0x1  }
0xf: {  	s20 =	sadd.s32 $0x10, s5;
	[dreg:$0xc] =	wrdreg s19  }
0x10: {  	s21 =	sadd.s32 $0x20, s5;
	[dreg:$0xd] =	wrdreg s20  }
0x11: {  	s22 =	sadd.s32 $0x30, s5;
	[dreg:$0xe] =	wrdreg s21  }
0x12: {  	s23 =	sadd.s32 $0x40, s5;
	[dreg:$0xf] =	wrdreg s22  }
0x13: {  	s24 =	sadd.s32 $0x50, s5;
	[dreg:$0x10] =	wrdreg s23  }
0x14: {  	s25 =	sadd.s32 $0x60, s5;
	[dreg:$0x11] =	wrdreg s24  }
0x15: {  	s26 =	sadd.s32 $0x70, s5;
	[dreg:$0x12] =	wrdreg s25  }
0x16: {  	s1 =	sadd.s32 $0x4000, s5;
	[dreg:$0x13] =	wrdreg s26  }
0x17: {  	s11 =	sadd.s32 $0x4010, s5;
	[dreg:$0x14] =	wrdreg s1  }
0x18: {  	s12 =	sadd.s32 $0x4020, s5;
	[dreg:$0x15] =	wrdreg s11  }
0x19: {  	s28 =	simm.s32 $0x15800;
	s13 =	sadd.s32 $0x4030, s5;
	[dreg:$0x16] =	wrdreg s12  }
0x1a: {  	s29 =	simm.s32 $0x17800;
	s14 =	sadd.s32 $0x4040, s5;
	[dreg:$0x17] =	wrdreg s13  }
0x1b: {  	s30 =	simm.s32 $0x19800;
	s15 =	sadd.s32 $0x4050, s5;
	[dreg:$0x18] =	wrdreg s14  }
0x1c: {  	s31 =	simm.s32 $0x1;
	s16 =	sadd.s32 $0x4060, s5;
	[dreg:$0x19] =	wrdreg s15  }
0x1d: {  	s4 =	sadd.s32 $0x400, s0;
	s17 =	sadd.s32 $0x4070, s5;
	[dreg:$0x1a] =	wrdreg s16  }
0x1e: {  	s0 =	sadd.s32 s7, s0;
	s18 =	sadd.s32 $0x8000, s5;
	[dreg:$0x1b] =	wrdreg s17  }
0x1f: {  	s6 =	sshll.u32 s9, $0x9;
	s0 =	sadd.s32 $0x27D0400, s0;
	[dreg:$0x1c] =	wrdreg s18  }
0x20: {  	s7 =	sadd.s32 $0x80, s5;
	s19 =	sadd.s32 $0x8010, s5;
	[dreg:$0xb] =	wrdreg s0  }
0x21: {  	s8 =	sadd.s32 $0x100, s5;
	s20 =	sadd.s32 $0x8020, s5;
	[dreg:$0x1d] =	wrdreg s19  }
0x22: {  	s9 =	sadd.s32 $0x180, s5;
	s21 =	sadd.s32 $0x8030, s5;
	[dreg:$0x1e] =	wrdreg s20  }
0x23: {  	s22 =	sadd.s32 $0x8040, s5;
	s23 =	sadd.s32 $0x8050, s5;
	[dreg:$0x1f] =	wrdreg s21  }
0x24: {  	s24 =	sadd.s32 $0x8060, s5;
	s25 =	sadd.s32 $0x8070, s5;
	[smem:$0x7F9] =	sst s22  }
0x25: {  	s26 =	sadd.s32 $0xC000, s5;
	s1 =	simm.s32 $0x3;
	[smem:$0x7FA] =	sst s23  }
0x26: {  	s11 =	simm.s32 $0x4;
	s12 =	simm.s32 $0x5;
	[smem:$0x7FB] =	sst s24  }
0x27: {  	s13 =	simm.s32 $0x6;
	s14 =	simm.s32 $0x7;
	[smem:$0x7FC] =	sst s25  }
0x28: {  	s15 =	simm.s32 $0x8;
	s16 =	simm.s32 $0x0;
	[smem:$0x7FD] =	sst s26  }
0x29: {  	s22 =	sadd.s32 $0xC010, s5;
	s23 =	simm.s32 $0x9;
	s24 =	simm.s32 $0x80  }
0x2a: {  	v0 =	vlaneseq.u32;
	v1 =	vimm.f32 $0.0e+00;
	s25 =	simm.s32 $0x13800;
	s26 =	simm.s32 $0x40;
	s0 =	simm.s32 $0x2  }
.LBB2_1:
0x2b: {  	[tilespmem:s3], [sflag:$0x9] =	stream.linear.gather [hbm4b:s5+s3], $0x80, $0x38;
	[tilespmem:$0x1B800] =	vst v63  }
0x2c: {  	s17 =	rddreg [dreg:$0xd]  }
0x2d: {  	s18 =	simm.s32 $0x200;
	s20 =	rddreg [dreg:$0xf]  }
0x2e: {  	[tilespmem:s18], [sflag:$0x9] =	stream.linear.gather [hbm4b:s17+s3], $0x80, $0x38;
	[tilespmem:$0x1B800] =	vst v63  }
0x2f: {  	s19 =	simm.s32 $0x400;
	s18 =	rddreg [dreg:$0xe]  }
0x30: {  	[tilespmem:s19], [sflag:$0x9] =	stream.linear.gather [hbm4b:s18+s3], $0x80, $0x38;
	[tilespmem:$0x1B800] =	vst v63  }
0x31: {  	s21 =	simm.s32 $0x600;
	s18 =	rddreg [dreg:$0x10]  }
0x32: {  	[tilespmem:s21], [sflag:$0x9] =	stream.linear.gather [hbm4b:s20+s3], $0x80, $0x38;
	[tilespmem:$0x1B800] =	vst v63  }
0x33: {  	s19 =	simm.s32 $0x800;
	s20 =	rddreg [dreg:$0x11]  }
0x34: {  	[tilespmem:s19], [sflag:$0x9] =	stream.linear.gather [hbm4b:s18+s3], $0x80, $0x38;
	[tilespmem:$0x1B800] =	vst v63  }
0x35: {  	s21 =	simm.s32 $0xA00;
	s18 =	rddreg [dreg:$0x12]  }
0x36: {  	[tilespmem:s21], [sflag:$0x9] =	stream.linear.gather [hbm4b:s20+s3], $0x80, $0x38;
	[tilespmem:$0x1B800] =	vst v63  }
0x37: {  	s19 =	simm.s32 $0xC00;
	s20 =	rddreg [dreg:$0x13]  }
0x38: {  	[tilespmem:s19], [sflag:$0x9] =	stream.linear.gather [hbm4b:s18+s3], $0x80, $0x38;
	[tilespmem:$0x1B800] =	vst v63  }
0x39: {  	s21 =	simm.s32 $0xE00;
	s18 =	rddreg [dreg:$0x14]  }
0x3a: {  	[tilespmem:s21], [sflag:$0x9] =	stream.linear.gather [hbm4b:s20+s3], $0x80, $0x38;
	[tilespmem:$0x1B800] =	vst v63  }
0x3b: {  	s19 =	simm.s32 $0x1000;
	s20 =	rddreg [dreg:$0x15]  }
0x3c: {  	[tilespmem:s19], [sflag:$0x9] =	stream.linear.gather [hbm4b:s18+s3], $0x80, $0x38;
	[tilespmem:$0x1B800] =	vst v63  }
0x3d: {  	s21 =	simm.s32 $0x1200;
	s18 =	rddreg [dreg:$0x16]  }
0x3e: {  	[tilespmem:s21], [sflag:$0x9] =	stream.linear.gather [hbm4b:s20+s3], $0x80, $0x38;
	[tilespmem:$0x1B800] =	vst v63  }
0x3f: {  	s19 =	simm.s32 $0x1400;
	s20 =	rddreg [dreg:$0x17]  }
0x40: {  	[tilespmem:s19], [sflag:$0x9] =	stream.linear.gather [hbm4b:s18+s3], $0x80, $0x38;
	[tilespmem:$0x1B800] =	vst v63  }
0x41: {  	s21 =	simm.s32 $0x1600;
	s18 =	rddreg [dreg:$0x18]  }
0x42: {  	[tilespmem:s21], [sflag:$0x9] =	stream.linear.gather [hbm4b:s20+s3], $0x80, $0x38;
	[tilespmem:$0x1B800] =	vst v63  }
0x43: {  	s19 =	simm.s32 $0x1800;
	s20 =	rddreg [dreg:$0x19]  }
0x44: {  	[tilespmem:s19], [sflag:$0x9] =	stream.linear.gather [hbm4b:s18+s3], $0x80, $0x38;
	[tilespmem:$0x1B800] =	vst v63  }
0x45: {  	s21 =	simm.s32 $0x1A00;
	s18 =	rddreg [dreg:$0x1a]  }
0x46: {  	[tilespmem:s21], [sflag:$0x9] =	stream.linear.gather [hbm4b:s20+s3], $0x80, $0x38;
	[tilespmem:$0x1B800] =	vst v63  }
0x47: {  	s19 =	simm.s32 $0x1C00;
	s20 =	rddreg [dreg:$0x1b]  }
0x48: {  	[tilespmem:s19], [sflag:$0x9] =	stream.linear.gather [hbm4b:s18+s3], $0x80, $0x38;
	[tilespmem:$0x1B800] =	vst v63  }
0x49: {  	s21 =	simm.s32 $0x1E00;
	s18 =	rddreg [dreg:$0x1c]  }
0x4a: {  	[tilespmem:s21], [sflag:$0x9] =	stream.linear.gather [hbm4b:s20+s3], $0x80, $0x38;
	[tilespmem:$0x1B800] =	vst v63  }
0x4b: {  	s19 =	simm.s32 $0x2000;
	s20 =	rddreg [dreg:$0x1d]  }
0x4c: {  	[tilespmem:s19], [sflag:$0x9] =	stream.linear.gather [hbm4b:s18+s3], $0x80, $0x38;
	[tilespmem:$0x1B800] =	vst v63  }
0x4d: {  	s21 =	simm.s32 $0x2200;
	s18 =	rddreg [dreg:$0x1e]  }
0x4e: {  	[tilespmem:s21], [sflag:$0x9] =	stream.linear.gather [hbm4b:s20+s3], $0x80, $0x38;
	[tilespmem:$0x1B800] =	vst v63  }
0x4f: {  	s19 =	simm.s32 $0x2400;
	s20 =	rddreg [dreg:$0x1f]  }
0x50: {  	[tilespmem:s19], [sflag:$0x9] =	stream.linear.gather [hbm4b:s18+s3], $0x80, $0x38;
	[tilespmem:$0x1B800] =	vst v63  }
0x51: {  	s21 =	simm.s32 $0x2600;
	s18 =	sld [smem:$0x7F9]  }
0x52: {  	[tilespmem:s21], [sflag:$0x9] =	stream.linear.gather [hbm4b:s20+s3], $0x80, $0x38;
	[tilespmem:$0x1B800] =	vst v63  }
0x53: {  	s19 =	simm.s32 $0x2800;
	s20 =	sld [smem:$0x7FA]  }
0x54: {  	[tilespmem:s19], [sflag:$0x9] =	stream.linear.gather [hbm4b:s18+s3], $0x80, $0x38;
	[tilespmem:$0x1B800] =	vst v63  }
0x55: {  	s21 =	simm.s32 $0x2A00;
	s18 =	sld [smem:$0x7FB]  }
0x56: {  	[tilespmem:s21], [sflag:$0x9] =	stream.linear.gather [hbm4b:s20+s3], $0x80, $0x38;
	[tilespmem:$0x1B800] =	vst v63  }
0x57: {  	s19 =	simm.s32 $0x2C00;
	s20 =	sld [smem:$0x7FC]  }
0x58: {  	[tilespmem:s19], [sflag:$0x9] =	stream.linear.gather [hbm4b:s18+s3], $0x80, $0x38;
	[tilespmem:$0x1B800] =	vst v63  }
0x59: {  	s21 =	simm.s32 $0x2E00;
	s19 =	sld [smem:$0x7FD]  }
0x5a: {  	[tilespmem:s21], [sflag:$0x9] =	stream.linear.gather [hbm4b:s20+s3], $0x80, $0x38;
	[tilespmem:$0x1B800] =	vst v63  }
0x5b: {  	s20 =	simm.s32 $0x3000  }
0x5c: {  	[tilespmem:s20], [sflag:$0x9] =	stream.linear.gather [hbm4b:s19+s3], $0x80, $0x38;
	[tilespmem:$0x1B800] =	vst v63  }
0x5d: {  	s21 =	simm.s32 $0x3200  }
0x5e: {  	[tilespmem:s21], [sflag:$0x9] =	stream.linear.gather [hbm4b:s22+s3], $0x80, $0x38;
	[tilespmem:$0x1B800] =	vst v63  }
0x5f: {  	_ =	swait.ge [sflag:s23], $0xD00  }
0x60: {  	[sflag:s23] =	ssyncset.done $0x0  }
0x61: {  	[sflag:s23] =	ssyncadd.s32 $0xFFFFF300  }
0x62: {  	[tilespmem:s24], [sflag:$0x9] =	stream.linear.gather [hbm4b:s7+s3], $0x80, $0x38;
	[tilespmem:$0x1B800] =	vst v63  }
0x63: {  	s18 =	sadd.s32 $0x10, s7;
	s19 =	simm.s32 $0x280  }
0x64: {  	[tilespmem:s19], [sflag:$0x9] =	stream.linear.gather [hbm4b:s18+s3], $0x80, $0x38;
	[tilespmem:$0x1B800] =	vst v63  }
0x65: {  	s20 =	sadd.s32 $0x20, s7;
	s21 =	simm.s32 $0x480  }
0x66: {  	[tilespmem:s21], [sflag:$0x9] =	stream.linear.gather [hbm4b:s20+s3], $0x80, $0x38;
	[tilespmem:$0x1B800] =	vst v63  }
0x67: {  	s18 =	sadd.s32 $0x30, s7;
	s19 =	simm.s32 $0x680  }
0x68: {  	[tilespmem:s19], [sflag:$0x9] =	stream.linear.gather [hbm4b:s18+s3], $0x80, $0x38;
	[tilespmem:$0x1B800] =	vst v63  }
0x69: {  	s20 =	sadd.s32 $0x40, s7;
	s21 =	simm.s32 $0x880  }
0x6a: {  	[tilespmem:s21], [sflag:$0x9] =	stream.linear.gather [hbm4b:s20+s3], $0x80, $0x38;
	[tilespmem:$0x1B800] =	vst v63  }
0x6b: {  	s18 =	sadd.s32 $0x50, s7;
	s19 =	simm.s32 $0xA80  }
0x6c: {  	[tilespmem:s19], [sflag:$0x9] =	stream.linear.gather [hbm4b:s18+s3], $0x80, $0x38;
	[tilespmem:$0x1B800] =	vst v63  }
0x6d: {  	s20 =	sadd.s32 $0x60, s7;
	s21 =	simm.s32 $0xC80  }
0x6e: {  	[tilespmem:s21], [sflag:$0x9] =	stream.linear.gather [hbm4b:s20+s3], $0x80, $0x38;
	[tilespmem:$0x1B800] =	vst v63  }
0x6f: {  	s18 =	sadd.s32 $0x70, s7;
	s19 =	simm.s32 $0xE80  }
0x70: {  	[tilespmem:s19], [sflag:$0x9] =	stream.linear.gather [hbm4b:s18+s3], $0x80, $0x38;
	[tilespmem:$0x1B800] =	vst v63  }
0x71: {  	s20 =	sadd.s32 $0x4000, s7;
	s21 =	simm.s32 $0x1080  }
0x72: {  	[tilespmem:s21], [sflag:$0x9] =	stream.linear.gather [hbm4b:s20+s3], $0x80, $0x38;
	[tilespmem:$0x1B800] =	vst v63  }
0x73: {  	s18 =	sadd.s32 $0x4010, s7;
	s19 =	simm.s32 $0x1280  }
0x74: {  	[tilespmem:s19], [sflag:$0x9] =	stream.linear.gather [hbm4b:s18+s3], $0x80, $0x38;
	[tilespmem:$0x1B800] =	vst v63  }
0x75: {  	s20 =	sadd.s32 $0x4020, s7;
	s21 =	simm.s32 $0x1480  }
0x76: {  	[tilespmem:s21], [sflag:$0x9] =	stream.linear.gather [hbm4b:s20+s3], $0x80, $0x38;
	[tilespmem:$0x1B800] =	vst v63  }
0x77: {  	s18 =	sadd.s32 $0x4030, s7;
	s19 =	simm.s32 $0x1680  }
0x78: {  	[tilespmem:s19], [sflag:$0x9] =	stream.linear.gather [hbm4b:s18+s3], $0x80, $0x38;
	[tilespmem:$0x1B800] =	vst v63  }
0x79: {  	s20 =	sadd.s32 $0x4040, s7;
	s21 =	simm.s32 $0x1880  }
0x7a: {  	[tilespmem:s21], [sflag:$0x9] =	stream.linear.gather [hbm4b:s20+s3], $0x80, $0x38;
	[tilespmem:$0x1B800] =	vst v63  }
0x7b: {  	s18 =	sadd.s32 $0x4050, s7;
	s19 =	simm.s32 $0x1A80  }
0x7c: {  	[tilespmem:s19], [sflag:$0x9] =	stream.linear.gather [hbm4b:s18+s3], $0x80, $0x38;
	[tilespmem:$0x1B800] =	vst v63  }
0x7d: {  	s20 =	sadd.s32 $0x4060, s7;
	s21 =	simm.s32 $0x1C80  }
0x7e: {  	[tilespmem:s21], [sflag:$0x9] =	stream.linear.gather [hbm4b:s20+s3], $0x80, $0x38;
	[tilespmem:$0x1B800] =	vst v63  }
0x7f: {  	s18 =	sadd.s32 $0x4070, s7;
	s19 =	simm.s32 $0x1E80  }
0x80: {  	[tilespmem:s19], [sflag:$0x9] =	stream.linear.gather [hbm4b:s18+s3], $0x80, $0x38;
	[tilespmem:$0x1B800] =	vst v63  }
0x81: {  	s20 =	sadd.s32 $0x8000, s7;
	s21 =	simm.s32 $0x2080  }
0x82: {  	[tilespmem:s21], [sflag:$0x9] =	stream.linear.gather [hbm4b:s20+s3], $0x80, $0x38;
	[tilespmem:$0x1B800] =	vst v63  }
0x83: {  	s18 =	sadd.s32 $0x8010, s7;
	s19 =	simm.s32 $0x2280  }
0x84: {  	[tilespmem:s19], [sflag:$0x9] =	stream.linear.gather [hbm4b:s18+s3], $0x80, $0x38;
	[tilespmem:$0x1B800] =	vst v63  }
0x85: {  	s20 =	sadd.s32 $0x8020, s7;
	s21 =	simm.s32 $0x2480  }
0x86: {  	[tilespmem:s21], [sflag:$0x9] =	stream.linear.gather [hbm4b:s20+s3], $0x80, $0x38;
	[tilespmem:$0x1B800] =	vst v63  }
0x87: {  	s18 =	sadd.s32 $0x8030, s7;
	s19 =	simm.s32 $0x2680  }
0x88: {  	[tilespmem:s19], [sflag:$0x9] =	stream.linear.gather [hbm4b:s18+s3], $0x80, $0x38;
	[tilespmem:$0x1B800] =	vst v63  }
0x89: {  	s20 =	sadd.s32 $0x8040, s7;
	s21 =	simm.s32 $0x2880  }
0x8a: {  	[tilespmem:s21], [sflag:$0x9] =	stream.linear.gather [hbm4b:s20+s3], $0x80, $0x38;
	[tilespmem:$0x1B800] =	vst v63  }
0x8b: {  	s18 =	sadd.s32 $0x8050, s7;
	s19 =	simm.s32 $0x2A80  }
0x8c: {  	[tilespmem:s19], [sflag:$0x9] =	stream.linear.gather [hbm4b:s18+s3], $0x80, $0x38;
	[tilespmem:$0x1B800] =	vst v63  }
0x8d: {  	s20 =	sadd.s32 $0x8060, s7;
	s21 =	simm.s32 $0x2C80  }
0x8e: {  	[tilespmem:s21], [sflag:$0x9] =	stream.linear.gather [hbm4b:s20+s3], $0x80, $0x38;
	[tilespmem:$0x1B800] =	vst v63  }
0x8f: {  	s18 =	sadd.s32 $0x8070, s7;
	s19 =	simm.s32 $0x2E80  }
0x90: {  	[tilespmem:s19], [sflag:$0x9] =	stream.linear.gather [hbm4b:s18+s3], $0x80, $0x38;
	[tilespmem:$0x1B800] =	vst v63  }
0x91: {  	s20 =	sadd.s32 $0xC000, s7;
	s21 =	simm.s32 $0x3080  }
0x92: {  	[tilespmem:s21], [sflag:$0x9] =	stream.linear.gather [hbm4b:s20+s3], $0x80, $0x38;
	[tilespmem:$0x1B800] =	vst v63  }
0x93: {  	s19 =	sadd.s32 $0xC010, s7;
	s20 =	simm.s32 $0x3280  }
0x94: {  	[tilespmem:s20], [sflag:$0x9] =	stream.linear.gather [hbm4b:s19+s3], $0x80, $0x38;
	[tilespmem:$0x1B800] =	vst v63  }
0x95: {  	_ =	swait.ge [sflag:s23], $0xD00  }
0x96: {  	[sflag:s23] =	ssyncset.done $0x0  }
0x97: {  	s17 =	simm.s32 $0x100;
	[sflag:s23] =	ssyncadd.s32 $0xFFFFF300  }
0x98: {  	[tilespmem:s17], [sflag:$0x9] =	stream.linear.gather [hbm4b:s8+s3], $0x80, $0x38;
	[tilespmem:$0x1B800] =	vst v63  }
0x99: {  	s21 =	sadd.s32 $0x10, s8;
	s19 =	simm.s32 $0x300  }
0x9a: {  	[tilespmem:s19], [sflag:$0x9] =	stream.linear.gather [hbm4b:s21+s3], $0x80, $0x38;
	[tilespmem:$0x1B800] =	vst v63  }
0x9b: {  	s20 =	sadd.s32 $0x20, s8;
	s21 =	simm.s32 $0x500  }
0x9c: {  	[tilespmem:s21], [sflag:$0x9] =	stream.linear.gather [hbm4b:s20+s3], $0x80, $0x38;
	[tilespmem:$0x1B800] =	vst v63  }
0x9d: {  	s20 =	sadd.s32 $0x30, s8;
	s21 =	simm.s32 $0x700  }
0x9e: {  	[tilespmem:s21], [sflag:$0x9] =	stream.linear.gather [hbm4b:s20+s3], $0x80, $0x38;
	[tilespmem:$0x1B800] =	vst v63  }
0x9f: {  	s20 =	sadd.s32 $0x40, s8;
	s21 =	simm.s32 $0x900  }
0xa0: {  	[tilespmem:s21], [sflag:$0x9] =	stream.linear.gather [hbm4b:s20+s3], $0x80, $0x38;
	[tilespmem:$0x1B800] =	vst v63  }
0xa1: {  	s20 =	sadd.s32 $0x50, s8;
	s21 =	simm.s32 $0xB00  }
0xa2: {  	[tilespmem:s21], [sflag:$0x9] =	stream.linear.gather [hbm4b:s20+s3], $0x80, $0x38;
	[tilespmem:$0x1B800] =	vst v63  }
0xa3: {  	s20 =	sadd.s32 $0x60, s8;
	s21 =	simm.s32 $0xD00  }
0xa4: {  	[tilespmem:s21], [sflag:$0x9] =	stream.linear.gather [hbm4b:s20+s3], $0x80, $0x38;
	[tilespmem:$0x1B800] =	vst v63  }
0xa5: {  	s20 =	sadd.s32 $0x70, s8;
	s21 =	simm.s32 $0xF00  }
0xa6: {  	[tilespmem:s21], [sflag:$0x9] =	stream.linear.gather [hbm4b:s20+s3], $0x80, $0x38;
	[tilespmem:$0x1B800] =	vst v63  }
0xa7: {  	s20 =	sadd.s32 $0x4000, s8;
	s21 =	simm.s32 $0x1100  }
0xa8: {  	[tilespmem:s21], [sflag:$0x9] =	stream.linear.gather [hbm4b:s20+s3], $0x80, $0x38;
	[tilespmem:$0x1B800] =	vst v63  }
0xa9: {  	s20 =	sadd.s32 $0x4010, s8;
	s21 =	simm.s32 $0x1300  }
0xaa: {  	[tilespmem:s21], [sflag:$0x9] =	stream.linear.gather [hbm4b:s20+s3], $0x80, $0x38;
	[tilespmem:$0x1B800] =	vst v63  }
0xab: {  	s20 =	sadd.s32 $0x4020, s8;
	s21 =	simm.s32 $0x1500  }
0xac: {  	[tilespmem:s21], [sflag:$0x9] =	stream.linear.gather [hbm4b:s20+s3], $0x80, $0x38;
	[tilespmem:$0x1B800] =	vst v63  }
0xad: {  	s20 =	sadd.s32 $0x4030, s8;
	s21 =	simm.s32 $0x1700  }
0xae: {  	[tilespmem:s21], [sflag:$0x9] =	stream.linear.gather [hbm4b:s20+s3], $0x80, $0x38;
	[tilespmem:$0x1B800] =	vst v63  }
0xaf: {  	s20 =	sadd.s32 $0x4040, s8;
	s21 =	simm.s32 $0x1900  }
0xb0: {  	[tilespmem:s21], [sflag:$0x9] =	stream.linear.gather [hbm4b:s20+s3], $0x80, $0x38;
	[tilespmem:$0x1B800] =	vst v63  }
0xb1: {  	s20 =	sadd.s32 $0x4050, s8;
	s21 =	simm.s32 $0x1B00  }
0xb2: {  	[tilespmem:s21], [sflag:$0x9] =	stream.linear.gather [hbm4b:s20+s3], $0x80, $0x38;
	[tilespmem:$0x1B800] =	vst v63  }
0xb3: {  	s20 =	sadd.s32 $0x4060, s8;
	s21 =	simm.s32 $0x1D00  }
0xb4: {  	[tilespmem:s21], [sflag:$0x9] =	stream.linear.gather [hbm4b:s20+s3], $0x80, $0x38;
	[tilespmem:$0x1B800] =	vst v63  }
0xb5: {  	s20 =	sadd.s32 $0x4070, s8;
	s21 =	simm.s32 $0x1F00  }
0xb6: {  	[tilespmem:s21], [sflag:$0x9] =	stream.linear.gather [hbm4b:s20+s3], $0x80, $0x38;
	[tilespmem:$0x1B800] =	vst v63  }
0xb7: {  	s20 =	sadd.s32 $0x8000, s8;
	s21 =	simm.s32 $0x2100  }
0xb8: {  	[tilespmem:s21], [sflag:$0x9] =	stream.linear.gather [hbm4b:s20+s3], $0x80, $0x38;
	[tilespmem:$0x1B800] =	vst v63  }
0xb9: {  	s20 =	sadd.s32 $0x8010, s8;
	s21 =	simm.s32 $0x2300  }
0xba: {  	[tilespmem:s21], [sflag:$0x9] =	stream.linear.gather [hbm4b:s20+s3], $0x80, $0x38;
	[tilespmem:$0x1B800] =	vst v63  }
0xbb: {  	s20 =	sadd.s32 $0x8020, s8;
	s21 =	simm.s32 $0x2500  }
0xbc: {  	[tilespmem:s21], [sflag:$0x9] =	stream.linear.gather [hbm4b:s20+s3], $0x80, $0x38;
	[tilespmem:$0x1B800] =	vst v63  }
0xbd: {  	s20 =	sadd.s32 $0x8030, s8;
	s21 =	simm.s32 $0x2700  }
0xbe: {  	[tilespmem:s21], [sflag:$0x9] =	stream.linear.gather [hbm4b:s20+s3], $0x80, $0x38;
	[tilespmem:$0x1B800] =	vst v63  }
0xbf: {  	s20 =	sadd.s32 $0x8040, s8;
	s21 =	simm.s32 $0x2900  }
0xc0: {  	[tilespmem:s21], [sflag:$0x9] =	stream.linear.gather [hbm4b:s20+s3], $0x80, $0x38;
	[tilespmem:$0x1B800] =	vst v63  }
0xc1: {  	s20 =	sadd.s32 $0x8050, s8;
	s21 =	simm.s32 $0x2B00  }
0xc2: {  	[tilespmem:s21], [sflag:$0x9] =	stream.linear.gather [hbm4b:s20+s3], $0x80, $0x38;
	[tilespmem:$0x1B800] =	vst v63  }
0xc3: {  	s20 =	sadd.s32 $0x8060, s8;
	s21 =	simm.s32 $0x2D00  }
0xc4: {  	[tilespmem:s21], [sflag:$0x9] =	stream.linear.gather [hbm4b:s20+s3], $0x80, $0x38;
	[tilespmem:$0x1B800] =	vst v63  }
0xc5: {  	s20 =	sadd.s32 $0x8070, s8;
	s21 =	simm.s32 $0x2F00  }
0xc6: {  	[tilespmem:s21], [sflag:$0x9] =	stream.linear.gather [hbm4b:s20+s3], $0x80, $0x38;
	[tilespmem:$0x1B800] =	vst v63  }
0xc7: {  	s20 =	sadd.s32 $0xC000, s8;
	s21 =	simm.s32 $0x3100  }
0xc8: {  	[tilespmem:s21], [sflag:$0x9] =	stream.linear.gather [hbm4b:s20+s3], $0x80, $0x38;
	[tilespmem:$0x1B800] =	vst v63  }
0xc9: {  	s20 =	sadd.s32 $0xC010, s8;
	s21 =	simm.s32 $0x3300  }
0xca: {  	[tilespmem:s21], [sflag:$0x9] =	stream.linear.gather [hbm4b:s20+s3], $0x80, $0x38;
	[tilespmem:$0x1B800] =	vst v63  }
0xcb: {  	_ =	swait.ge [sflag:s23], $0xD00  }
0xcc: {  	[sflag:s23] =	ssyncset.done $0x0  }
0xcd: {  	s19 =	simm.s32 $0x180;
	[sflag:s23] =	ssyncadd.s32 $0xFFFFF300  }
0xce: {  	[tilespmem:s19], [sflag:$0x9] =	stream.linear.gather [hbm4b:s9+s3], $0x80, $0x38;
	[tilespmem:$0x1B800] =	vst v63  }
0xcf: {  	s20 =	sadd.s32 $0x10, s9;
	s21 =	simm.s32 $0x380  }
0xd0: {  	[tilespmem:s21], [sflag:$0x9] =	stream.linear.gather [hbm4b:s20+s3], $0x80, $0x38;
	[tilespmem:$0x1B800] =	vst v63  }
0xd1: {  	s20 =	sadd.s32 $0x20, s9;
	s21 =	simm.s32 $0x580  }
0xd2: {  	[tilespmem:s21], [sflag:$0x9] =	stream.linear.gather [hbm4b:s20+s3], $0x80, $0x38;
	[tilespmem:$0x1B800] =	vst v63  }
0xd3: {  	s20 =	sadd.s32 $0x30, s9;
	s21 =	simm.s32 $0x780  }
0xd4: {  	[tilespmem:s21], [sflag:$0x9] =	stream.linear.gather [hbm4b:s20+s3], $0x80, $0x38;
	[tilespmem:$0x1B800] =	vst v63  }
0xd5: {  	s20 =	sadd.s32 $0x40, s9;
	s21 =	simm.s32 $0x980  }
0xd6: {  	[tilespmem:s21], [sflag:$0x9] =	stream.linear.gather [hbm4b:s20+s3], $0x80, $0x38;
	[tilespmem:$0x1B800] =	vst v63  }
0xd7: {  	s20 =	sadd.s32 $0x50, s9;
	s21 =	simm.s32 $0xB80  }
0xd8: {  	[tilespmem:s21], [sflag:$0x9] =	stream.linear.gather [hbm4b:s20+s3], $0x80, $0x38;
	[tilespmem:$0x1B800] =	vst v63  }
0xd9: {  	s20 =	sadd.s32 $0x60, s9;
	s21 =	simm.s32 $0xD80  }
0xda: {  	[tilespmem:s21], [sflag:$0x9] =	stream.linear.gather [hbm4b:s20+s3], $0x80, $0x38;
	[tilespmem:$0x1B800] =	vst v63  }
0xdb: {  	s20 =	sadd.s32 $0x70, s9;
	s21 =	simm.s32 $0xF80  }
0xdc: {  	[tilespmem:s21], [sflag:$0x9] =	stream.linear.gather [hbm4b:s20+s3], $0x80, $0x38;
	[tilespmem:$0x1B800] =	vst v63  }
0xdd: {  	s20 =	sadd.s32 $0x4000, s9;
	s21 =	simm.s32 $0x1180  }
0xde: {  	[tilespmem:s21], [sflag:$0x9] =	stream.linear.gather [hbm4b:s20+s3], $0x80, $0x38;
	[tilespmem:$0x1B800] =	vst v63  }
0xdf: {  	s20 =	sadd.s32 $0x4010, s9;
	s21 =	simm.s32 $0x1380  }
0xe0: {  	[tilespmem:s21], [sflag:$0x9] =	stream.linear.gather [hbm4b:s20+s3], $0x80, $0x38;
	[tilespmem:$0x1B800] =	vst v63  }
0xe1: {  	s20 =	sadd.s32 $0x4020, s9;
	s21 =	simm.s32 $0x1580  }
0xe2: {  	[tilespmem:s21], [sflag:$0x9] =	stream.linear.gather [hbm4b:s20+s3], $0x80, $0x38;
	[tilespmem:$0x1B800] =	vst v63  }
0xe3: {  	s20 =	sadd.s32 $0x4030, s9;
	s21 =	simm.s32 $0x1780  }
0xe4: {  	[tilespmem:s21], [sflag:$0x9] =	stream.linear.gather [hbm4b:s20+s3], $0x80, $0x38;
	[tilespmem:$0x1B800] =	vst v63  }
0xe5: {  	s20 =	sadd.s32 $0x4040, s9;
	s21 =	simm.s32 $0x1980  }
0xe6: {  	[tilespmem:s21], [sflag:$0x9] =	stream.linear.gather [hbm4b:s20+s3], $0x80, $0x38;
	[tilespmem:$0x1B800] =	vst v63  }
0xe7: {  	s20 =	sadd.s32 $0x4050, s9;
	s21 =	simm.s32 $0x1B80  }
0xe8: {  	[tilespmem:s21], [sflag:$0x9] =	stream.linear.gather [hbm4b:s20+s3], $0x80, $0x38;
	[tilespmem:$0x1B800] =	vst v63  }
0xe9: {  	s20 =	sadd.s32 $0x4060, s9;
	s21 =	simm.s32 $0x1D80  }
0xea: {  	[tilespmem:s21], [sflag:$0x9] =	stream.linear.gather [hbm4b:s20+s3], $0x80, $0x38;
	[tilespmem:$0x1B800] =	vst v63  }
0xeb: {  	s20 =	sadd.s32 $0x4070, s9;
	s21 =	simm.s32 $0x1F80  }
0xec: {  	[tilespmem:s21], [sflag:$0x9] =	stream.linear.gather [hbm4b:s20+s3], $0x80, $0x38;
	[tilespmem:$0x1B800] =	vst v63  }
0xed: {  	s20 =	sadd.s32 $0x8000, s9;
	s21 =	simm.s32 $0x2180  }
0xee: {  	[tilespmem:s21], [sflag:$0x9] =	stream.linear.gather [hbm4b:s20+s3], $0x80, $0x38;
	[tilespmem:$0x1B800] =	vst v63  }
0xef: {  	s20 =	sadd.s32 $0x8010, s9;
	s21 =	simm.s32 $0x2380  }
0xf0: {  	[tilespmem:s21], [sflag:$0x9] =	stream.linear.gather [hbm4b:s20+s3], $0x80, $0x38;
	[tilespmem:$0x1B800] =	vst v63  }
0xf1: {  	s20 =	sadd.s32 $0x8020, s9;
	s21 =	simm.s32 $0x2580  }
0xf2: {  	[tilespmem:s21], [sflag:$0x9] =	stream.linear.gather [hbm4b:s20+s3], $0x80, $0x38;
	[tilespmem:$0x1B800] =	vst v63  }
0xf3: {  	s20 =	sadd.s32 $0x8030, s9;
	s21 =	simm.s32 $0x2780  }
0xf4: {  	[tilespmem:s21], [sflag:$0x9] =	stream.linear.gather [hbm4b:s20+s3], $0x80, $0x38;
	[tilespmem:$0x1B800] =	vst v63  }
0xf5: {  	s20 =	sadd.s32 $0x8040, s9;
	s21 =	simm.s32 $0x2980  }
0xf6: {  	[tilespmem:s21], [sflag:$0x9] =	stream.linear.gather [hbm4b:s20+s3], $0x80, $0x38;
	[tilespmem:$0x1B800] =	vst v63  }
0xf7: {  	s20 =	sadd.s32 $0x8050, s9;
	s21 =	simm.s32 $0x2B80  }
0xf8: {  	[tilespmem:s21], [sflag:$0x9] =	stream.linear.gather [hbm4b:s20+s3], $0x80, $0x38;
	[tilespmem:$0x1B800] =	vst v63  }
0xf9: {  	s20 =	sadd.s32 $0x8060, s9;
	s21 =	simm.s32 $0x2D80  }
0xfa: {  	[tilespmem:s21], [sflag:$0x9] =	stream.linear.gather [hbm4b:s20+s3], $0x80, $0x38;
	[tilespmem:$0x1B800] =	vst v63  }
0xfb: {  	s20 =	sadd.s32 $0x8070, s9;
	s21 =	simm.s32 $0x2F80  }
0xfc: {  	[tilespmem:s21], [sflag:$0x9] =	stream.linear.gather [hbm4b:s20+s3], $0x80, $0x38;
	[tilespmem:$0x1B800] =	vst v63  }
0xfd: {  	s20 =	sadd.s32 $0xC000, s9;
	s21 =	simm.s32 $0x3180  }
0xfe: {  	[tilespmem:s21], [sflag:$0x9] =	stream.linear.gather [hbm4b:s20+s3], $0x80, $0x38;
	[tilespmem:$0x1B800] =	vst v63  }
0xff: {  	s20 =	sadd.s32 $0xC010, s9;
	s21 =	simm.s32 $0x3380  }
0x100: {  	[tilespmem:s21], [sflag:$0x9] =	stream.linear.gather [hbm4b:s20+s3], $0x80, $0x38;
	[tilespmem:$0x1B800] =	vst v63  }
0x101: {  	_ =	swait.ge [sflag:s23], $0xD00  }
0x102: {  	[sflag:s23] =	ssyncset.done $0x0  }
0x103: {  	[sflag:s23] =	ssyncadd.s32 $0xFFFFF300  }
0x104: {  	v2 =	vld [tilespmem:s17+$0xFFFFFF00]  }
0x105: {  	v3 =	vld [tilespmem:s17+$0xFFFFFF10]  }
0x106: {  	v4 =	vld [tilespmem:s17+$0xFFFFFF20]  }
0x107: {  	v5 =	vld [tilespmem:s17+$0xFFFFFF30]  }
0x108: {  	v6 =	vld [tilespmem:s17+$0xFFFFFF40]  }
0x109: {  	v7 =	vld [tilespmem:s17+$0xFFFFFF50];
	v2 =	vadd.s32 s31, v2  }
0x10a: {  	[tilespmem:s17+$0xFFFFFF00] =	vst v2;
	v2 =	vadd.s32 s31, v3;
	v3 =	vld [tilespmem:s17+$0xFFFFFF60]  }
0x10b: {  	[tilespmem:s17+$0xFFFFFF10] =	vst v2;
	v2 =	vadd.s32 s31, v4;
	v4 =	vld [tilespmem:s17+$0xFFFFFF70]  }
0x10c: {  	[tilespmem:s17+$0xFFFFFF20] =	vst v2;
	v2 =	vadd.s32 s31, v5;
	v5 =	vld [tilespmem:s17+$0xFFFFFF80]  }
0x10d: {  	[tilespmem:s17+$0xFFFFFF30] =	vst v2;
	v2 =	vadd.s32 s31, v6;
	v6 =	vld [tilespmem:s17+$0xFFFFFF90]  }
0x10e: {  	[tilespmem:s17+$0xFFFFFF40] =	vst v2;
	v2 =	vadd.s32 s31, v7;
	v7 =	vld [tilespmem:s17+$0xFFFFFFA0]  }
0x10f: {  	[tilespmem:s17+$0xFFFFFF50] =	vst v2;
	v2 =	vadd.s32 s31, v3;
	v3 =	vld [tilespmem:s17+$0xFFFFFFB0]  }
0x110: {  	[tilespmem:s17+$0xFFFFFF60] =	vst v2;
	v2 =	vadd.s32 s31, v4;
	v4 =	vld [tilespmem:s17+$0xFFFFFFC0]  }
0x111: {  	[tilespmem:s17+$0xFFFFFF70] =	vst v2;
	v2 =	vadd.s32 s31, v5;
	v5 =	vld [tilespmem:s17+$0xFFFFFFD0]  }
0x112: {  	[tilespmem:s17+$0xFFFFFF80] =	vst v2;
	v2 =	vadd.s32 s31, v6;
	v6 =	vld [tilespmem:s17+$0xFFFFFFE0]  }
0x113: {  	[tilespmem:s17+$0xFFFFFF90] =	vst v2;
	v2 =	vadd.s32 s31, v7;
	v7 =	vld [tilespmem:s17+$0x0]  }
0x114: {  	[tilespmem:s17+$0xFFFFFFA0] =	vst v2;
	v2 =	vadd.s32 s31, v3;
	v3 =	vld [tilespmem:s17+$0x10]  }
0x115: {  	[tilespmem:s17+$0xFFFFFFB0] =	vst v2;
	v2 =	vadd.s32 s31, v4;
	v4 =	vld [tilespmem:s17+$0x20]  }
0x116: {  	[tilespmem:s17+$0xFFFFFFC0] =	vst v2;
	v2 =	vadd.s32 s31, v5;
	v5 =	vld [tilespmem:s17+$0x30]  }
0x117: {  	[tilespmem:s17+$0xFFFFFFD0] =	vst v2;
	v2 =	vadd.s32 s31, v6;
	v6 =	vld [tilespmem:s17+$0x40]  }
0x118: {  	[tilespmem:s17+$0xFFFFFFE0] =	vst v2;
	v2 =	vadd.s32 s31, v7;
	v7 =	vld [tilespmem:s17+$0x50]  }
0x119: {  	[tilespmem:s17+$0x0] =	vst v2;
	v2 =	vadd.s32 s31, v3;
	v3 =	vld [tilespmem:s17+$0x60]  }
0x11a: {  	[tilespmem:s17+$0x10] =	vst v2;
	v2 =	vadd.s32 s31, v4;
	v4 =	vld [tilespmem:s17+$0x70]  }
0x11b: {  	[tilespmem:s17+$0x20] =	vst v2;
	v2 =	vadd.s32 s31, v5;
	v5 =	vld [tilespmem:s17+$0x80]  }
0x11c: {  	[tilespmem:s17+$0x30] =	vst v2;
	v2 =	vadd.s32 s31, v6;
	v6 =	vld [tilespmem:s17+$0x90]  }
0x11d: {  	[tilespmem:s17+$0x40] =	vst v2;
	v2 =	vadd.s32 s31, v7;
	v7 =	vld [tilespmem:s17+$0xA0]  }
0x11e: {  	[tilespmem:s17+$0x50] =	vst v2;
	v3 =	vadd.s32 s31, v3;
	v2 =	vld [tilespmem:s17+$0xB0]  }
0x11f: {  	[tilespmem:s17+$0x60] =	vst v3;
	v4 =	vadd.s32 s31, v4;
	v3 =	vld [tilespmem:s17+$0xC0]  }
0x120: {  	[tilespmem:s17+$0x70] =	vst v4;
	v5 =	vadd.s32 s31, v5;
	v4 =	vld [tilespmem:s17+$0xD0]  }
0x121: {  	[tilespmem:s17+$0x80] =	vst v5;
	v6 =	vadd.s32 s31, v6;
	v5 =	vld [tilespmem:s17+$0xE0]  }
0x122: {  	s18 =	simm.s32 $0x1;
	s19 =	simm.s32 $0x18801;
	s20 =	simm.s32 $0x100;
	[tilespmem:s17+$0x90] =	vst v6;
	v7 =	vadd.s32 s31, v7;
	v6 =	vld [tilespmem:s17+$0xF0]  }
.LBB2_2:
0x123: {  	p0 =	sne.s32 s19, $0x264801;
	v8 =	vld [tilespmem:s17+$0xFFFFFFF0];
	[tilespmem:s17+$0xA0] =	vst v7;
	v2 =	vadd.s32 s18, v2;
	s20 =	sadd.s32 $0x200, s20  }
0x124: {  	v7 =	vld [tilespmem:s20+$0xFFFFFF00];
	[tilespmem:s17+$0xB0] =	vst v2;
	v2 =	vadd.s32 s18, v3  }
0x125: {  	v3 =	vld [tilespmem:s20+$0xFFFFFF10];
	[tilespmem:s17+$0xC0] =	vst v2;
	v2 =	vadd.s32 s18, v4  }
0x126: {  	v4 =	vld [tilespmem:s20+$0xFFFFFF20];
	[tilespmem:s17+$0xD0] =	vst v2;
	v2 =	vadd.s32 s18, v5  }
0x127: {  	v5 =	vld [tilespmem:s20+$0xFFFFFF30];
	[tilespmem:s17+$0xE0] =	vst v2;
	v2 =	vadd.s32 s18, v6  }
0x128: {  	v6 =	vld [tilespmem:s20+$0xFFFFFF40];
	v8 =	vadd.s32 s18, v8;
	[tilespmem:s17+$0xF0] =	vst v2;
	s18 =	smov.u32 s19  }
0x129: {  	v2 =	vadd.s32 s19, v7;
	v7 =	vld [tilespmem:s20+$0xFFFFFF50];
	[tilespmem:s17+$0xFFFFFFF0] =	vst v8;
	s17 =	smov.u32 s20  }
0x12a: {  	[tilespmem:s20+$0xFFFFFF00] =	vst v2;
	v2 =	vadd.s32 s19, v3;
	v3 =	vld [tilespmem:s20+$0xFFFFFF60]  }
0x12b: {  	[tilespmem:s20+$0xFFFFFF10] =	vst v2;
	v2 =	vadd.s32 s19, v4;
	v4 =	vld [tilespmem:s20+$0xFFFFFF70]  }
0x12c: {  	[tilespmem:s20+$0xFFFFFF20] =	vst v2;
	v2 =	vadd.s32 s19, v5;
	v5 =	vld [tilespmem:s20+$0xFFFFFF80]  }
0x12d: {  	[tilespmem:s20+$0xFFFFFF30] =	vst v2;
	v2 =	vadd.s32 s19, v6;
	v6 =	vld [tilespmem:s20+$0xFFFFFF90]  }
0x12e: {  	[tilespmem:s20+$0xFFFFFF40] =	vst v2;
	v2 =	vadd.s32 s19, v7;
	v7 =	vld [tilespmem:s20+$0xFFFFFFA0]  }
0x12f: {  	[tilespmem:s20+$0xFFFFFF50] =	vst v2;
	v2 =	vadd.s32 s19, v3;
	v3 =	vld [tilespmem:s20+$0xFFFFFFB0]  }
0x130: {  	[tilespmem:s20+$0xFFFFFF60] =	vst v2;
	v2 =	vadd.s32 s19, v4;
	v4 =	vld [tilespmem:s20+$0xFFFFFFC0]  }
0x131: {  	[tilespmem:s20+$0xFFFFFF70] =	vst v2;
	v2 =	vadd.s32 s19, v5;
	v5 =	vld [tilespmem:s20+$0xFFFFFFD0]  }
0x132: {  	[tilespmem:s20+$0xFFFFFF80] =	vst v2;
	v2 =	vadd.s32 s19, v6;
	v6 =	vld [tilespmem:s20+$0xFFFFFFE0]  }
0x133: {  	[tilespmem:s20+$0xFFFFFF90] =	vst v2;
	v2 =	vadd.s32 s19, v7;
	v7 =	vld [tilespmem:s20+$0x0]  }
0x134: {  	[tilespmem:s20+$0xFFFFFFA0] =	vst v2;
	v2 =	vadd.s32 s19, v3;
	v3 =	vld [tilespmem:s20+$0x10]  }
0x135: {  	[tilespmem:s20+$0xFFFFFFB0] =	vst v2;
	v2 =	vadd.s32 s19, v4;
	v4 =	vld [tilespmem:s20+$0x20]  }
0x136: {  	[tilespmem:s20+$0xFFFFFFC0] =	vst v2;
	v2 =	vadd.s32 s19, v5;
	v5 =	vld [tilespmem:s20+$0x30]  }
0x137: {  	[tilespmem:s20+$0xFFFFFFD0] =	vst v2;
	v2 =	vadd.s32 s19, v6;
	v6 =	vld [tilespmem:s20+$0x40]  }
0x138: {  	[tilespmem:s20+$0xFFFFFFE0] =	vst v2;
	v2 =	vadd.s32 s19, v7;
	v7 =	vld [tilespmem:s20+$0x50]  }
0x139: {  	[tilespmem:s20+$0x0] =	vst v2;
	v2 =	vadd.s32 s19, v3;
	v3 =	vld [tilespmem:s20+$0x60]  }
0x13a: {  	[tilespmem:s20+$0x10] =	vst v2;
	v2 =	vadd.s32 s19, v4;
	v4 =	vld [tilespmem:s20+$0x70]  }
0x13b: {  	[tilespmem:s20+$0x20] =	vst v2;
	v2 =	vadd.s32 s19, v5;
	v5 =	vld [tilespmem:s20+$0x80]  }
0x13c: {  	[tilespmem:s20+$0x30] =	vst v2;
	v2 =	vadd.s32 s19, v6;
	v6 =	vld [tilespmem:s20+$0x90]  }
0x13d: {  	[tilespmem:s20+$0x40] =	vst v2;
	v2 =	vadd.s32 s19, v7;
	v7 =	vld [tilespmem:s20+$0xA0]  }
.Ltmp0:
0x13e: {  	[tilespmem:s20+$0x50] =	vst v2;
	v3 =	vadd.s32 s19, v3;
	v2 =	vld [tilespmem:s20+$0xB0];
	(pc) =	sbr.rel @p0 .LBB2_2-.Ltmp0, $4  }
0x13f: {  	[tilespmem:s20+$0x60] =	vst v3;
	v4 =	vadd.s32 s19, v4;
	v3 =	vld [tilespmem:s20+$0xC0]  }
0x140: {  	[tilespmem:s20+$0x70] =	vst v4;
	v5 =	vadd.s32 s19, v5;
	v4 =	vld [tilespmem:s20+$0xD0]  }
0x141: {  	[tilespmem:s20+$0x80] =	vst v5;
	v6 =	vadd.s32 s19, v6;
	v5 =	vld [tilespmem:s20+$0xE0]  }
0x142: {  	s19 =	sadd.s32 $0x18800, s19;
	[tilespmem:s20+$0x90] =	vst v6;
	v7 =	vadd.s32 s18, v7;
	v6 =	vld [tilespmem:s20+$0xF0]  }
0x143: {  	v8 =	vld [tilespmem:s17+$0xFFFFFFF0];
	[tilespmem:s17+$0xA0] =	vst v7;
	v2 =	vadd.s32 s18, v2  }
0x144: {  	[tilespmem:s17+$0xB0] =	vst v2;
	v2 =	vadd.s32 s18, v3  }
0x145: {  	[tilespmem:s17+$0xC0] =	vst v2;
	v2 =	vadd.s32 s18, v4  }
0x146: {  	[tilespmem:s17+$0xD0] =	vst v2;
	v2 =	vadd.s32 s18, v5  }
0x147: {  	s19 =	sadd.s32 $0x0, s6;
	[tilespmem:s17+$0xE0] =	vst v2;
	v2 =	vadd.s32 s18, v6  }
0x148: {  	s21 =	sadd.s32 $0x30, s19;
	v3 =	vadd.s32 s18, v8;
	[tilespmem:s17+$0xF0] =	vst v2  }
0x149: {  	s20 =	sadd.s32 $0x10, s19;
	v2 =	vor.u32 s21, v0;
	[tilespmem:s17+$0xFFFFFFF0] =	vst v3;
	s17 =	simm.s32 $0x3420  }
0x14a: {  	s21 =	sadd.s32 $0x20, s19;
	v3 =	vor.u32 s20, v0;
	[tilespmem:s17+$0x10] =	vst v2  }
0x14b: {  	v63 =	vor.u32 s21, v0;
	[tilespmem:s17+$0xFFFFFFF0] =	vst v3  }
0x14c: {  	s18 =	simm.s32 $0x40;
	v2 =	vor.u32 s19, v0;
	[tilespmem:s17+$0x0] =	vst v63  }
.LBB2_4:
0x14d: {  	s19 =	sadd.s32 s18, s6  }
0x14e: {  	p0 =	sne.s32 s18, $0x1C0;
	s18 =	sadd.s32 $0x40, s18;
	[tilespmem:s17+$0xFFFFFFE0] =	vst v2;
	s20 =	sadd.s32 $0x10, s19  }
.Ltmp1:
0x14f: {  	v2 =	vor.u32 s19, v0;
	s21 =	sadd.s32 $0x20, s19;
	s19 =	sadd.s32 $0x30, s19;
	(pc) =	sbr.rel @p0 .LBB2_4-.Ltmp1, $4  }
0x150: {  	s17 =	sadd.s32 $0x80, s17;
	v3 =	vor.u32 s20, v0;
	v4 =	vor.u32 s21, v0;
	v5 =	vor.u32 s19, v0  }
0x151: {  	[tilespmem:s17+$0x10] =	vst v5  }
0x152: {  	[tilespmem:s17+$0xFFFFFFF0] =	vst v3  }
0x153: {  	[tilespmem:s17+$0x0] =	vst v4  }
0x154: {  	[tilespmem:s17+$0xFFFFFFE0] =	vst v2;
	s17 =	simm.s32 $0x0;
	s18 =	simm.s32 $0x200  }
.LBB2_6:
0x155: {  	p0 =	sne.s32 s18, $0x7E00;
	[tilespmem:s17+$0x13870] =	vst v1  }
0x156: {  	[tilespmem:s17+$0x13800] =	vst v1  }
0x157: {  	[tilespmem:s17+$0x13810] =	vst v1  }
.Ltmp2:
0x158: {  	[tilespmem:s17+$0x13820] =	vst v1;
	(pc) =	sbr.rel @p0 .LBB2_6-.Ltmp2, $4  }
0x159: {  	[tilespmem:s17+$0x13830] =	vst v1  }
0x15a: {  	[tilespmem:s17+$0x13840] =	vst v1  }
0x15b: {  	[tilespmem:s17+$0x13850] =	vst v1  }
0x15c: {  	[tilespmem:s17+$0x13860] =	vst v1;
	s17 =	sshra.s32 s18, $0x2;
	s18 =	sadd.s32 $0x200, s18  }
0x15d: {  	[tilespmem:s17+$0x13870] =	vst v1  }
0x15e: {  	[tilespmem:s17+$0x13800] =	vst v1  }
0x15f: {  	[tilespmem:s17+$0x13810] =	vst v1  }
0x160: {  	[tilespmem:s17+$0x13820] =	vst v1  }
0x161: {  	[tilespmem:s17+$0x13830] =	vst v1  }
0x162: {  	[tilespmem:s17+$0x13840] =	vst v1  }
0x163: {  	[tilespmem:s17+$0x13850] =	vst v1  }
0x164: {  	[tilespmem:s17+$0x13860] =	vst v1  }
0x165: {  	[spmem:s10] =	stream.linear.scatter [tilespmem:s25], [sflag:$0x9], $0x2000, $0x38;
	[tilespmem:$0x1B800] =	vst v63  }
0x166: {  	_ =	swait.ge [sflag:s23], $0x2000  }
0x167: {  	[sflag:s23] =	ssyncset.done $0x0  }
0x168: {  	s19 =	rddreg [dreg:$0x4];
	[sflag:s23] =	ssyncadd.s32 $0xFFFFE000  }
0x169: {  	[spmem:s19] =	stream.linear.scatter [tilespmem:s25], [sflag:$0x9], $0x2000, $0x38;
	[tilespmem:$0x1B800] =	vst v63  }
0x16a: {  	_ =	swait.ge [sflag:s23], $0x2000  }
0x16b: {  	[sflag:s23] =	ssyncset.done $0x0  }
0x16c: {  	s20 =	rddreg [dreg:$0x5];
	[sflag:s23] =	ssyncadd.s32 $0xFFFFE000  }
0x16d: {  	[spmem:s20] =	stream.linear.scatter [tilespmem:s25], [sflag:$0x9], $0x2000, $0x38;
	[tilespmem:$0x1B800] =	vst v63  }
0x16e: {  	_ =	swait.ge [sflag:s23], $0x2000  }
0x16f: {  	[sflag:s23] =	ssyncset.done $0x0  }
0x170: {  	s21 =	rddreg [dreg:$0x6];
	[sflag:s23] =	ssyncadd.s32 $0xFFFFE000  }
0x171: {  	[spmem:s21] =	stream.linear.scatter [tilespmem:s25], [sflag:$0x9], $0x2000, $0x38;
	[tilespmem:$0x1B800] =	vst v63  }
0x172: {  	_ =	swait.ge [sflag:s23], $0x2000  }
0x173: {  	[sflag:s23] =	ssyncset.done $0x0  }
0x174: {  	s18 =	rddreg [dreg:$0x7];
	[sflag:s23] =	ssyncadd.s32 $0xFFFFE000  }
0x175: {  	[spmem:s18] =	stream.linear.scatter [tilespmem:s25], [sflag:$0x9], $0x2000, $0x38;
	[tilespmem:$0x1B800] =	vst v63  }
0x176: {  	_ =	swait.ge [sflag:s23], $0x2000  }
0x177: {  	[sflag:s23] =	ssyncset.done $0x0  }
0x178: {  	s19 =	rddreg [dreg:$0x8];
	[sflag:s23] =	ssyncadd.s32 $0xFFFFE000  }
0x179: {  	[spmem:s19] =	stream.linear.scatter [tilespmem:s25], [sflag:$0x9], $0x2000, $0x38;
	[tilespmem:$0x1B800] =	vst v63  }
0x17a: {  	_ =	swait.ge [sflag:s23], $0x2000  }
0x17b: {  	[sflag:s23] =	ssyncset.done $0x0  }
0x17c: {  	s20 =	rddreg [dreg:$0x9];
	[sflag:s23] =	ssyncadd.s32 $0xFFFFE000  }
0x17d: {  	[spmem:s20] =	stream.linear.scatter [tilespmem:s25], [sflag:$0x9], $0x2000, $0x38;
	[tilespmem:$0x1B800] =	vst v63  }
0x17e: {  	_ =	swait.ge [sflag:s23], $0x2000  }
0x17f: {  	[sflag:s23] =	ssyncset.done $0x0  }
0x180: {  	s21 =	rddreg [dreg:$0xa];
	[sflag:s23] =	ssyncadd.s32 $0xFFFFE000  }
0x181: {  	[spmem:s21] =	stream.linear.scatter [tilespmem:s25], [sflag:$0x9], $0x2000, $0x38;
	[tilespmem:$0x1B800] =	vst v63  }
0x182: {  	_ =	swait.ge [sflag:s23], $0x2000  }
0x183: {  	[sflag:s23] =	ssyncset.done $0x0  }
0x184: {  	s18 =	simm.s32 $0x0;
	[sflag:s23] =	ssyncadd.s32 $0xFFFFE000  }
0x185: {  	[tilespmem:s25], [sflag:$0x1] =	stream.indirect.gather [hbm4b:s4+s26], $0x80, s18, s26, $0xb8;
	[tilespmem:$0x1B800] =	vst v63  }
0x186: {  	_ = 	snop  }
0x187: {  	[tilespmem:s28], [sflag:$0x2] =	stream.indirect.gather [hbm4b:s4+s26], $0x80, s26, s26, $0xb8;
	[tilespmem:$0x1B800] =	vst v63  }
0x188: {  	_ = 	snop  }
0x189: {  	[tilespmem:s29], [sflag:$0x3] =	stream.indirect.gather [hbm4b:s4+s26], $0x80, s24, s26, $0xb8;
	[tilespmem:$0x1B800] =	vst v63  }
0x18a: {  	s19 =	simm.s32 $0xC0  }
0x18b: {  	[tilespmem:s30], [sflag:$0x4] =	stream.indirect.gather [hbm4b:s4+s26], $0x80, s19, s26, $0xb8;
	[tilespmem:$0x1B800] =	vst v63  }
0x18c: {  	s20 =	simm.s32 $0x0;
	_ =	swait.ge [sflag:s31], $0x2000  }
0x18d: {  	s17 =	sand.u32 $0x200, s20;
	[sflag:s31] =	ssyncset.done $0x0  }
0x18e: {  	s18 =	sor.u32 $0x3400, s17;
	[sflag:s31] =	ssyncadd.s32 $0xFFFFE000  }
0x18f: {  	[spmem:s2] =	stream.indirect.scatter.add.f32 [tilespmem:s25], [sflag:$0x5], $0x80, s18, s26, $0xb8;
	[tilespmem:$0x1B800] =	vst v63  }
0x190: {  	_ =	swait.ge [sflag:s0], $0x2000  }
0x191: {  	[sflag:s0] =	ssyncset.done $0x0  }
0x192: {  	s21 =	sor.u32 $0x3480, s17;
	[sflag:s0] =	ssyncadd.s32 $0xFFFFE000  }
0x193: {  	[spmem:s2] =	stream.indirect.scatter.add.f32 [tilespmem:s28], [sflag:$0x6], $0x80, s21, s26, $0xb8;
	[tilespmem:$0x1B800] =	vst v63  }
0x194: {  	_ =	swait.ge [sflag:s1], $0x2000  }
0x195: {  	[sflag:s1] =	ssyncset.done $0x0  }
0x196: {  	s19 =	sor.u32 $0x3500, s17;
	[sflag:s1] =	ssyncadd.s32 $0xFFFFE000  }
0x197: {  	[spmem:s2] =	stream.indirect.scatter.add.f32 [tilespmem:s29], [sflag:$0x7], $0x80, s19, s26, $0xb8;
	[tilespmem:$0x1B800] =	vst v63  }
0x198: {  	_ =	swait.ge [sflag:s11], $0x2000  }
0x199: {  	[sflag:s11] =	ssyncset.done $0x0  }
0x19a: {  	s17 =	sor.u32 $0x3580, s17;
	[sflag:s11] =	ssyncadd.s32 $0xFFFFE000  }
0x19b: {  	[spmem:s2] =	stream.indirect.scatter.add.f32 [tilespmem:s30], [sflag:$0x8], $0x80, s17, s26, $0xb8;
	[tilespmem:$0x1B800] =	vst v63  }
0x19c: {  	s20 =	simm.s32 $0x400;
	_ =	swait.ge [sflag:s12], $0x2000  }
0x19d: {  	s17 =	sand.u32 $0x1FC00, s20;
	[sflag:s12] =	ssyncset.done $0x0  }
0x19e: {  	s21 =	simm.s32 $0x500;
	s17 =	sshrl.u32 s17, $0x2;
	[sflag:s12] =	ssyncadd.s32 $0xFFFFE000  }
0x19f: {  	[tilespmem:s25], [sflag:$0x1] =	stream.indirect.gather [hbm4b:s4+s26], $0x80, s17, s26, $0xb8;
	[tilespmem:$0x1B800] =	vst v63  }
0x1a0: {  	s19 =	sand.u32 $0x1FC00, s21;
	_ =	swait.ge [sflag:s13], $0x2000  }
0x1a1: {  	s17 =	sshrl.u32 s19, $0x2;
	[sflag:s13] =	ssyncset.done $0x0  }
0x1a2: {  	s17 =	sor.u32 $0x40, s17;
	[sflag:s13] =	ssyncadd.s32 $0xFFFFE000  }
0x1a3: {  	[tilespmem:s28], [sflag:$0x2] =	stream.indirect.gather [hbm4b:s4+s26], $0x80, s17, s26, $0xb8;
	[tilespmem:$0x1B800] =	vst v63  }
0x1a4: {  	s20 =	simm.s32 $0x600;
	_ =	swait.ge [sflag:s14], $0x2000  }
0x1a5: {  	s21 =	simm.s32 $0x700;
	s17 =	sand.u32 $0x1FE00, s20;
	[sflag:s14] =	ssyncset.done $0x0  }
0x1a6: {  	s18 =	sand.u32 $0x1FE00, s21;
	s17 =	sshrl.u32 s17, $0x2;
	[sflag:s14] =	ssyncadd.s32 $0xFFFFE000  }
0x1a7: {  	[tilespmem:s29], [sflag:$0x3] =	stream.indirect.gather [hbm4b:s4+s26], $0x80, s17, s26, $0xb8;
	[tilespmem:$0x1B800] =	vst v63  }
0x1a8: {  	s18 =	sshrl.u32 s18, $0x2;
	_ =	swait.ge [sflag:s15], $0x2000  }
0x1a9: {  	s19 =	sor.u32 $0x40, s18;
	[sflag:s15] =	ssyncset.done $0x0  }
0x1aa: {  	s18 =	simm.s32 $0x800;
	s17 =	simm.s32 $0xB00;
	[sflag:s15] =	ssyncadd.s32 $0xFFFFE000  }
.LBB2_8:
0x1ab: {  	[tilespmem:s30], [sflag:$0x4] =	stream.indirect.gather [hbm4b:s4+s26], $0x80, s19, s26, $0xb8;
	[tilespmem:$0x1B800] =	vst v63  }
0x1ac: {  	s19 =	smov.u32 s17  }
0x1ad: {  	s20 =	sshrl.u32 s18, $0x2;
	p0 =	sne.s32 s17, $0xCF00;
	_ =	swait.ge [sflag:s31], $0x2000  }
0x1ae: {  	s17 =	sadd.s32 $0x400, s17;
	s20 =	sand.u32 $0x200, s20;
	[sflag:s31] =	ssyncset.done $0x0  }
0x1af: {  	s21 =	sor.u32 $0x3400, s20;
	[sflag:s31] =	ssyncadd.s32 $0xFFFFE000  }
0x1b0: {  	[spmem:s2] =	stream.indirect.scatter.add.f32 [tilespmem:s25], [sflag:$0x5], $0x80, s21, s26, $0xb8;
	[tilespmem:$0x1B800] =	vst v63  }
0x1b1: {  	_ =	swait.ge [sflag:s0], $0x2000  }
0x1b2: {  	[sflag:s0] =	ssyncset.done $0x0  }
0x1b3: {  	s21 =	sor.u32 $0x3480, s20;
	[sflag:s0] =	ssyncadd.s32 $0xFFFFE000  }
0x1b4: {  	[spmem:s2] =	stream.indirect.scatter.add.f32 [tilespmem:s28], [sflag:$0x6], $0x80, s21, s26, $0xb8;
	[tilespmem:$0x1B800] =	vst v63  }
0x1b5: {  	_ =	swait.ge [sflag:s1], $0x2000  }
0x1b6: {  	[sflag:s1] =	ssyncset.done $0x0  }
0x1b7: {  	s21 =	sor.u32 $0x3500, s20;
	[sflag:s1] =	ssyncadd.s32 $0xFFFFE000  }
0x1b8: {  	[spmem:s2] =	stream.indirect.scatter.add.f32 [tilespmem:s29], [sflag:$0x7], $0x80, s21, s26, $0xb8;
	[tilespmem:$0x1B800] =	vst v63  }
0x1b9: {  	_ =	swait.ge [sflag:s11], $0x2000  }
0x1ba: {  	[sflag:s11] =	ssyncset.done $0x0  }
0x1bb: {  	s20 =	sor.u32 $0x3580, s20;
	[sflag:s11] =	ssyncadd.s32 $0xFFFFE000  }
0x1bc: {  	[spmem:s2] =	stream.indirect.scatter.add.f32 [tilespmem:s30], [sflag:$0x8], $0x80, s20, s26, $0xb8;
	[tilespmem:$0x1B800] =	vst v63  }
0x1bd: {  	s20 =	sadd.s32 $0xFFFFFD00, s19;
	_ =	swait.ge [sflag:s12], $0x2000  }
0x1be: {  	s20 =	sand.u32 $0x1FC00, s20;
	[sflag:s12] =	ssyncset.done $0x0  }
0x1bf: {  	s21 =	sadd.s32 $0xFFFFFE00, s19;
	s20 =	sshrl.u32 s20, $0x2;
	[sflag:s12] =	ssyncadd.s32 $0xFFFFE000  }
0x1c0: {  	[tilespmem:s25], [sflag:$0x1] =	stream.indirect.gather [hbm4b:s4+s26], $0x80, s20, s26, $0xb8;
	[tilespmem:$0x1B800] =	vst v63  }
0x1c1: {  	s20 =	sand.u32 $0x1FC00, s21;
	_ =	swait.ge [sflag:s13], $0x2000  }
0x1c2: {  	s20 =	sshrl.u32 s20, $0x2;
	[sflag:s13] =	ssyncset.done $0x0  }
0x1c3: {  	s20 =	sor.u32 $0x40, s20;
	[sflag:s13] =	ssyncadd.s32 $0xFFFFE000  }
0x1c4: {  	[tilespmem:s28], [sflag:$0x2] =	stream.indirect.gather [hbm4b:s4+s26], $0x80, s20, s26, $0xb8;
	[tilespmem:$0x1B800] =	vst v63  }
0x1c5: {  	s20 =	sadd.s32 $0xFFFFFF00, s19;
	_ =	swait.ge [sflag:s14], $0x2000  }
0x1c6: {  	s20 =	sand.u32 $0x1FE00, s20;
	[sflag:s14] =	ssyncset.done $0x0  }
.Ltmp3:
0x1c7: {  	s20 =	sshrl.u32 s20, $0x2;
	[sflag:s14] =	ssyncadd.s32 $0xFFFFE000;
	(pc) =	sbr.rel @p0 .LBB2_8-.Ltmp3, $4  }
0x1c8: {  	[tilespmem:s29], [sflag:$0x3] =	stream.indirect.gather [hbm4b:s4+s26], $0x80, s20, s26, $0xb8;
	[tilespmem:$0x1B800] =	vst v63  }
0x1c9: {  	s19 =	sand.u32 $0x1FE00, s19;
	_ =	swait.ge [sflag:s15], $0x2000  }
0x1ca: {  	s19 =	sshrl.u32 s19, $0x2;
	[sflag:s15] =	ssyncset.done $0x0  }
0x1cb: {  	s18 =	sadd.s32 $0x800, s18;
	s19 =	sor.u32 $0x40, s19;
	[sflag:s15] =	ssyncadd.s32 $0xFFFFE000  }
0x1cc: {  	[tilespmem:s30], [sflag:$0x4] =	stream.indirect.gather [hbm4b:s4+s26], $0x80, s19, s26, $0xb8;
	[tilespmem:$0x1B800] =	vst v63  }
0x1cd: {  	_ =	swait.ge [sflag:s31], $0x2000  }
0x1ce: {  	[sflag:s31] =	ssyncset.done $0x0  }
0x1cf: {  	s17 =	simm.s32 $0x3600;
	[sflag:s31] =	ssyncadd.s32 $0xFFFFE000  }
0x1d0: {  	[spmem:s2] =	stream.indirect.scatter.add.f32 [tilespmem:s25], [sflag:$0x5], $0x80, s17, s26, $0xb8;
	[tilespmem:$0x1B800] =	vst v63  }
0x1d1: {  	_ =	swait.ge [sflag:s0], $0x2000  }
0x1d2: {  	[sflag:s0] =	ssyncset.done $0x0  }
0x1d3: {  	s20 =	simm.s32 $0x3680;
	[sflag:s0] =	ssyncadd.s32 $0xFFFFE000  }
0x1d4: {  	[spmem:s2] =	stream.indirect.scatter.add.f32 [tilespmem:s28], [sflag:$0x6], $0x80, s20, s26, $0xb8;
	[tilespmem:$0x1B800] =	vst v63  }
0x1d5: {  	_ =	swait.ge [sflag:s1], $0x2000  }
0x1d6: {  	[sflag:s1] =	ssyncset.done $0x0  }
0x1d7: {  	s21 =	simm.s32 $0x3700;
	[sflag:s1] =	ssyncadd.s32 $0xFFFFE000  }
0x1d8: {  	[spmem:s2] =	stream.indirect.scatter.add.f32 [tilespmem:s29], [sflag:$0x7], $0x80, s21, s26, $0xb8;
	[tilespmem:$0x1B800] =	vst v63  }
0x1d9: {  	_ =	swait.ge [sflag:s11], $0x2000  }
0x1da: {  	[sflag:s11] =	ssyncset.done $0x0  }
0x1db: {  	s18 =	simm.s32 $0x3780;
	[sflag:s11] =	ssyncadd.s32 $0xFFFFE000  }
0x1dc: {  	[spmem:s2] =	stream.indirect.scatter.add.f32 [tilespmem:s30], [sflag:$0x8], $0x80, s18, s26, $0xb8;
	[tilespmem:$0x1B800] =	vst v63  }
0x1dd: {  	_ =	swait.ge [sflag:s12], $0x2000  }
0x1de: {  	[sflag:s12] =	ssyncset.done $0x0  }
0x1df: {  	[sflag:s12] =	ssyncadd.s32 $0xFFFFE000  }
0x1e0: {  	_ =	swait.ge [sflag:s13], $0x2000  }
0x1e1: {  	[sflag:s13] =	ssyncset.done $0x0  }
0x1e2: {  	[sflag:s13] =	ssyncadd.s32 $0xFFFFE000  }
0x1e3: {  	_ =	swait.ge [sflag:s14], $0x2000  }
0x1e4: {  	[sflag:s14] =	ssyncset.done $0x0  }
0x1e5: {  	s19 =	stileid.u32;
	[sflag:s14] =	ssyncadd.s32 $0xFFFFE000  }
0x1e6: {  	s17 =	sshll.u32 s19, $0x6;
	_ =	swait.ge [sflag:s15], $0x2000  }
0x1e7: {  	s17 =	sor.u32 $0x1C09, s17;
	[sflag:s15] =	ssyncset.done $0x0  }
0x1e8: {  	s18 =	sshrl.u32 s10, $0x3;
	s20 =	rddreg [dreg:$0xb];
	[sflag:s15] =	ssyncadd.s32 $0xFFFFE000  }
0x1e9: {  	[hbm:s20], [sflag:s17] =	dma.local [spmem:s18], $0x2000  }
0x1ea: {  	_ =	swait.ge [sflag:s23], $0x2000  }
0x1eb: {  	s16 =	sadd.s32 $0x1, s16;
	s21 =	rddreg [dreg:$0xc]  }
0x1ec: {  	p0 =	sne.s32 s16, s21  }
.Ltmp4:
0x1ed: {  	_ = 	snop;
	(pc) =	sbr.rel @p0 .LBB2_1-.Ltmp4, $3  }
0x1ee: {  	_ =	sdelay $0x1  }
0x1ef: {  	[sflag:s23] =	ssyncset.done $0x0  }
0x1f0: {  	[sflag:s23] =	ssyncadd.s32 $0xFFFFE000  }
0x1f1: {  	_ =	sfence.sel $0x180000  }
0x1f2: {  	[bflag:$0x0] =	sbarrier.arrive $0xFFFF  }
0x1f3: {  	_ =	strace $0x90000047  }
0x1f4: {  	s0 =	stileid.u32;
	[bflag:$0x2] =	sbarrier.arrive $0xFFFF  }
0x1f5: {  	p0 =	sne.s32 s0, $0x0;
	s0 =	rddreg [dreg:$0x3]  }
0x1f6: {  	s0 =	sadd.s32 @!p0 $0x100000, s0  }
0x1f7: {  	[sflag:s0] =	ssyncadd.tile.s32 @!p0 $0x1;
	_ =	shalt  }
.Lfunc_end2:
_tile_overlayer_lowered:
.L_overlay_start_2:
0x1f8: {  	(tag) =	ssettag $0x2  }
0x1f9: {  	s0 =	rddreg [dreg:$0x0];
	s2 =	stileid.u32  }
0x1fa: {  	s1 =	rddreg [dreg:$0x1];
	p0 =	sne.s32 s2, $0x0  }
0x1fb: {  	s3 =	rddreg [dreg:$0x2];
	[bflag:$0x3] =	sbarrier.arrive $0xFFFF;
	s2 =	simm.s32 @!p0 $0x1C09  }
0x1fc: {  	[timem:s3], [sflag:s2] =	dma.local @!p0 [hbm:s0], s1  }
0x1fd: {  	s0 =	simm.s32 @!p0 $0x9  }
0x1fe: {  	_ =	swait.ge @!p0 [sflag:s0], s1  }
0x1ff: {  	s1 =	ssub.s32 @!p0 $0x0, s1;
	[sflag:s0] =	ssyncset.done @!p0 $0x0  }
0x200: {  	[sflag:s0] =	ssyncadd.s32 @!p0 s1  }
0x201: {  	[bflag:$0x3] =	sbarrier.arrive $0xFFFF  }
0x202: {  	_ =	shalt  }

</sc_bundles>
